<compile_context>
chip_gen: v7x
topology: tpu7x:2x2x1
jax: 0.10.2.dev20260603
libtpu: 0.0.44.dev20260713+nightly
codegen_flags: <defaults>
</compile_context>

<pallas_src>
import functools

import jax
import jax.numpy as jnp
from jax import lax
from jax.experimental import pallas as pl
from jax.experimental.pallas import tpu as pltpu
from jax.experimental.pallas import tpu_sc as plsc

_B, _N, _CIN = 2, 8192, 128
_M, _K = 1024, 32
_R2 = 0.8 * 0.8
_ROWS = _B * _M * _K
_F32 = jnp.float32


_FR = 8
_FC = _N // _FR


def _fps_body(px_ref, py_ref, pz_ref, q_ref):
    px = px_ref[...]
    py = py_ref[...]
    pz = pz_ref[...]
    rr = lax.broadcasted_iota(jnp.int32, (_B * _FR, _FC), 0)
    cc = lax.broadcasted_iota(jnp.int32, (_B * _FR, _FC), 1)
    b0 = rr < _FR
    n16 = jnp.where(b0, rr, rr - _FR) * _FC + cc
    im = lax.broadcasted_iota(jnp.int32, (1, _M), 1)
    rb = lax.broadcasted_iota(jnp.int32, (_B, 1), 0)

    def pick(msk):
        out = []
        for p in (px, py, pz):
            pm = jnp.where(msk, p, 0.0)
            out.append((jnp.sum(pm[0:_FR]), jnp.sum(pm[_FR:])))
        return out

    def dist(cs):
        (cx0, cx1), (cy0, cy1), (cz0, cz1) = cs
        cxb = jnp.where(b0, cx0, cx1)
        cyb = jnp.where(b0, cy0, cy1)
        czb = jnp.where(b0, cz0, cz1)
        return (px - cxb) ** 2 + (py - cyb) ** 2 + (pz - czb) ** 2

    def qupd(qx, qy, qz, cs, sel):
        (cx0, cx1), (cy0, cy1), (cz0, cz1) = cs
        qx = qx + jnp.where(sel, jnp.where(rb == 0, cx0, cx1), 0.0)
        qy = qy + jnp.where(sel, jnp.where(rb == 0, cy0, cy1), 0.0)
        qz = qz + jnp.where(sel, jnp.where(rb == 0, cz0, cz1), 0.0)
        return qx, qy, qz

    cs0 = pick(n16 == 0)
    d0 = dist(cs0)
    z = jnp.zeros((_B, _M), _F32)
    q0x, q0y, q0z = qupd(z, z, z, cs0, im == 0)

    def step(m, carry):
        mind, qx, qy, qz = carry
        mx0 = jnp.max(mind[0:_FR])
        mx1 = jnp.max(mind[_FR:])
        cand = jnp.where(mind == jnp.where(b0, mx0, mx1), n16, _N)
        nxt0 = jnp.min(cand[0:_FR])
        nxt1 = jnp.min(cand[_FR:])
        msk = n16 == jnp.where(b0, nxt0, nxt1)
        cs = pick(msk)
        qx, qy, qz = qupd(qx, qy, qz, cs, im == m)
        return jnp.minimum(mind, dist(cs)), qx, qy, qz

    _, qx, qy, qz = lax.fori_loop(1, _M, step, (d0, q0x, q0y, q0z),
                                  unroll=3)
    q_ref[:, 0, :] = qx
    q_ref[:, 1, :] = qy
    q_ref[:, 2, :] = qz


def _fps(s_points, interpret=False):
    px = s_points[:, 0, :].reshape(_B * _FR, _FC)
    py = s_points[:, 1, :].reshape(_B * _FR, _FC)
    pz = s_points[:, 2, :].reshape(_B * _FR, _FC)
    spec = pl.BlockSpec((_B * _FR, _FC), lambda b: (0, 0))
    return pl.pallas_call(
        _fps_body,
        grid=(1,),
        in_specs=[spec, spec, spec],
        out_specs=pl.BlockSpec((_B, 3, _M), lambda b: (0, 0, 0)),
        out_shape=jax.ShapeDtypeStruct((_B, 3, _M), _F32),
        interpret=interpret,
    )(px, py, pz)


def _pmat_body(pts_ref, fts_ref, w1a_ref, w1b_ref, out_ref):
    pts = pts_ref[0]
    fts = fts_ref[0]
    dn = (((0,), (0,)), ((), ()))
    out_ref[0] = (
        lax.dot_general(fts, w1b_ref[...], dn, preferred_element_type=_F32)
        + lax.dot_general(pts, w1a_ref[...], dn, preferred_element_type=_F32)
    )


def _pmat(s_points, s_feats, w1a, w1b, interpret=False):
    return pl.pallas_call(
        _pmat_body,
        grid=(_B,),
        in_specs=[
            pl.BlockSpec((1, 3, _N), lambda b: (b, 0, 0)),
            pl.BlockSpec((1, _CIN, _N), lambda b: (b, 0, 0)),
            pl.BlockSpec((3, _CIN), lambda b: (0, 0)),
            pl.BlockSpec((_CIN, _CIN), lambda b: (0, 0)),
        ],
        out_specs=pl.BlockSpec((1, _N, _CIN), lambda b: (b, 0, 0)),
        out_shape=jax.ShapeDtypeStruct((_B, _N, _CIN), _F32),
        interpret=interpret,
    )(s_points, s_feats, w1a, w1b)


_TM = 128


def _bq_body(px_ref, py_ref, pz_ref, qx_ref, qy_ref, qz_ref, out_ref):
    b = pl.program_id(0)
    px = px_ref[0]
    py = py_ref[0]
    pz = pz_ref[0]
    qx = qx_ref[0]
    qy = qy_ref[0]
    qz = qz_ref[0]
    qbt = jnp.concatenate([qx, qy, qz], axis=1)
    ptsm = jnp.concatenate([px, py, pz], axis=0)
    dn = (((1,), (0,)), ((), ()))
    qp = lax.dot_general(qbt, ptsm, dn, preferred_element_type=_F32)
    q2 = qx * qx + qy * qy + qz * qz
    p2 = px * px + py * py + pz * pz
    d2 = (q2 + p2) - 2.0 * qp
    ii = lax.broadcasted_iota(jnp.int32, (_TM, _N), 1).astype(_F32)
    big = float(_N)
    cur = jnp.where(d2 <= _R2, ii, big)
    cols = []
    for k in range(_K):
        mn = jnp.min(cur, axis=1, keepdims=True)
        cols.append(mn)
        if k < _K - 1:
            cur = jnp.where(cur == mn, big, cur)
    first = jnp.where(cols[0] >= big, 0.0, cols[0])
    sel = jnp.concatenate(
        [first] + [jnp.where(c >= big, first, c) for c in cols[1:]], axis=1)
    out_ref[0] = sel.astype(jnp.int32) + b * _N


def _bq(q, s_points, interpret=False):
    pspec = pl.BlockSpec((1, 1, _N), lambda b, j: (b, 0, 0))
    qspec = pl.BlockSpec((1, _TM, 1), lambda b, j: (b, j, 0))
    return pl.pallas_call(
        _bq_body,
        grid=(_B, _M // _TM),
        in_specs=[pspec, pspec, pspec, qspec, qspec, qspec],
        out_specs=pl.BlockSpec((1, _TM, _K), lambda b, j: (b, j, 0)),
        out_shape=jax.ShapeDtypeStruct((_B, _M, _K), jnp.int32),
        interpret=interpret,
    )(s_points[:, 0:1, :], s_points[:, 1:2, :], s_points[:, 2:3, :],
      q[:, 0, :, None], q[:, 1, :, None], q[:, 2, :, None])


_NW = 32
_CH = 128


def _gather_sc(tbl, idx):
    n_ch = _ROWS // (_NW * _CH)
    mesh = plsc.VectorSubcoreMesh(core_axis_name="c", subcore_axis_name="s")

    @functools.partial(
        pl.kernel,
        out_type=jax.ShapeDtypeStruct((_ROWS, _CIN), _F32),
        mesh=mesh,
        scratch_types=[
            pltpu.VMEM((_CH,), jnp.int32),
            pltpu.VMEM((_CH, _CIN), _F32),
            pltpu.SemaphoreType.DMA,
        ],
    )
    def gk(tbl_hbm, idx_hbm, out_hbm, idx_v, rows_v, sem):
        wid = lax.axis_index("s") * 2 + lax.axis_index("c")
        base = wid * (_CH * n_ch)

        def chunk(c, carry):
            off = base + c * _CH
            pltpu.sync_copy(idx_hbm.at[pl.ds(off, _CH)], idx_v)
            pltpu.async_copy(tbl_hbm.at[idx_v], rows_v, sem).wait()
            pltpu.sync_copy(rows_v, out_hbm.at[pl.ds(off, _CH)])
            return carry

        lax.fori_loop(0, n_ch, chunk, 0)

    return gk(tbl, idx)


_TG1 = 256


def _l1_body(g_ref, q_ref, w1a_ref, b1_ref, h_ref, s_ref, ss_ref):
    qb = q_ref[...]
    c = b1_ref[...] - jnp.dot(qb, w1a_ref[...], preferred_element_type=_F32)
    h = g_ref[...] + c[:, None, :]
    h_ref[...] = h
    s = jnp.sum(jnp.sum(h, axis=0), axis=0, keepdims=True)
    ss = jnp.sum(jnp.sum(h * h, axis=0), axis=0, keepdims=True)

    @pl.when(pl.program_id(0) == 0)
    def _():
        s_ref[...] = s
        ss_ref[...] = ss

    @pl.when(pl.program_id(0) != 0)
    def _():
        s_ref[...] += s
        ss_ref[...] += ss


def _l1(g3, qf, w1a, b1r, interpret=False):
    grid = (_B * _M // _TG1,)
    return pl.pallas_call(
        _l1_body,
        grid=grid,
        in_specs=[
            pl.BlockSpec((_TG1, _K, _CIN), lambda i: (i, 0, 0)),
            pl.BlockSpec((_TG1, 3), lambda i: (i, 0)),
            pl.BlockSpec((3, _CIN), lambda i: (0, 0)),
            pl.BlockSpec((1, _CIN), lambda i: (0, 0)),
        ],
        out_specs=[
            pl.BlockSpec((_TG1, _K, _CIN), lambda i: (i, 0, 0)),
            pl.BlockSpec((1, _CIN), lambda i: (0, 0)),
            pl.BlockSpec((1, _CIN), lambda i: (0, 0)),
        ],
        out_shape=[
            jax.ShapeDtypeStruct((_B * _M, _K, _CIN), _F32),
            jax.ShapeDtypeStruct((1, _CIN), _F32),
            jax.ShapeDtypeStruct((1, _CIN), _F32),
        ],
        interpret=interpret,
    )(g3, qf, w1a, b1r)


_TR = 4096


def _l23_body(h_ref, s_ref, ss_ref, g_ref, be_ref, w_ref, b_ref,
              o_ref, so_ref, sso_ref):
    cnt = float(_ROWS)
    mean = s_ref[...] / cnt
    var = ss_ref[...] / cnt - mean * mean
    rstd = 1.0 / jnp.sqrt(var + 1e-5)
    scale = g_ref[...] * rstd
    shift = be_ref[...] - mean * scale
    x = jnp.maximum(h_ref[...] * scale + shift, 0.0)
    o = jnp.dot(x, w_ref[...], preferred_element_type=_F32) + b_ref[...]
    o_ref[...] = o
    s = jnp.sum(o, axis=0, keepdims=True)
    ss = jnp.sum(o * o, axis=0, keepdims=True)

    @pl.when(pl.program_id(0) == 0)
    def _():
        so_ref[...] = s
        sso_ref[...] = ss

    @pl.when(pl.program_id(0) != 0)
    def _():
        so_ref[...] += s
        sso_ref[...] += ss


def _l23(h, s, ss, g, be, w, b, interpret=False):
    cin = h.shape[1]
    cout = w.shape[1]
    grid = (_ROWS // _TR,)
    return pl.pallas_call(
        _l23_body,
        grid=grid,
        in_specs=[
            pl.BlockSpec((_TR, cin), lambda i: (i, 0)),
            pl.BlockSpec((1, cin), lambda i: (0, 0)),
            pl.BlockSpec((1, cin), lambda i: (0, 0)),
            pl.BlockSpec((1, cin), lambda i: (0, 0)),
            pl.BlockSpec((1, cin), lambda i: (0, 0)),
            pl.BlockSpec((cin, cout), lambda i: (0, 0)),
            pl.BlockSpec((1, cout), lambda i: (0, 0)),
        ],
        out_specs=[
            pl.BlockSpec((_TR, cout), lambda i: (i, 0)),
            pl.BlockSpec((1, cout), lambda i: (0, 0)),
            pl.BlockSpec((1, cout), lambda i: (0, 0)),
        ],
        out_shape=[
            jax.ShapeDtypeStruct((_ROWS, cout), _F32),
            jax.ShapeDtypeStruct((1, cout), _F32),
            jax.ShapeDtypeStruct((1, cout), _F32),
        ],
        interpret=interpret,
    )(h, s, ss, g, be, w, b)


_TG4 = 256


def _l4_body(h_ref, s_ref, ss_ref, g_ref, be_ref, o_ref):
    cnt = float(_ROWS)
    mean = s_ref[...] / cnt
    var = ss_ref[...] / cnt - mean * mean
    rstd = 1.0 / jnp.sqrt(var + 1e-5)
    scale = (g_ref[...] * rstd)[None]
    shift = (be_ref[...] - mean * (g_ref[...] * rstd))[None]
    x = jnp.maximum(h_ref[0] * scale + shift, 0.0)
    mx = jnp.max(x, axis=1)
    o_ref[0] = jnp.transpose(mx)


def _l4(h4, s, ss, g, be, interpret=False):
    cout = h4.shape[-1]
    return pl.pallas_call(
        _l4_body,
        grid=(_B, _M // _TG4),
        in_specs=[
            pl.BlockSpec((1, _TG4, _K, cout), lambda b, j: (b, j, 0, 0)),
            pl.BlockSpec((1, cout), lambda b, j: (0, 0)),
            pl.BlockSpec((1, cout), lambda b, j: (0, 0)),
            pl.BlockSpec((1, cout), lambda b, j: (0, 0)),
            pl.BlockSpec((1, cout), lambda b, j: (0, 0)),
        ],
        out_specs=pl.BlockSpec((1, cout, _TG4), lambda b, j: (b, 0, j)),
        out_shape=jax.ShapeDtypeStruct((_B, cout, _M), _F32),
        interpret=interpret,
    )(h4, s, ss, g, be)


def _run(s_points, s_feats, W1, b1, g1, be1, W2, b2, g2, be2, W3, b3, g3, be3,
         gather_fn, interpret=False):
    w1a = W1[:3]
    w1b = W1[3:]
    q = _fps(s_points, interpret)
    p_tbl = _pmat(s_points, s_feats, w1a, w1b, interpret)
    nidx = _bq(q, s_points, interpret)
    g_rows = gather_fn(p_tbl.reshape(_B * _N, _CIN), nidx.reshape(_ROWS))
    qf = jnp.transpose(q, (0, 2, 1)).reshape(_B * _M, 3)
    h1, s1, ss1 = _l1(g_rows.reshape(_B * _M, _K, _CIN), qf, w1a,
                      b1.reshape(1, -1), interpret)
    h2, s2, ss2 = _l23(h1.reshape(_ROWS, _CIN), s1, ss1,
                       g1.reshape(1, -1), be1.reshape(1, -1),
                       W2, b2.reshape(1, -1), interpret)
    h3, s3, ss3 = _l23(h2, s2, ss2,
                       g2.reshape(1, -1), be2.reshape(1, -1),
                       W3, b3.reshape(1, -1), interpret)
    qf_out = _l4(h3.reshape(_B, _M, _K, -1), s3, ss3,
                 g3.reshape(1, -1), be3.reshape(1, -1), interpret)
    return q, qf_out


def kernel(s_points, s_feats, W1, b1, g1, be1, W2, b2, g2, be2,
           W3, b3, g3, be3):
    return _run(s_points, s_feats, W1, b1, g1, be1, W2, b2, g2, be2,
                W3, b3, g3, be3, _gather_sc)

# --- scband reference (transcript-rebuilt; emitter-appended) ---
"""Pipeline reference for scband-set-abstraction-module-2173253452296 (READ-ONLY COPY).

The authoritative reference and input builder live on the scoring server;
editing this copy changes nothing except your own understanding.
"""

import jax, jax.numpy as jnp
import numpy as np

B, N, C_IN = 2, 8192, 128
M = 1024
K = 32
RADIUS = 0.8
DIMS = [131, 128, 128, 256]


def _fps_indices(points):
    b, n, _ = points.shape
    pts = jax.lax.stop_gradient(points)
    d0 = jnp.sum((pts - pts[:, :1, :]) ** 2, axis=-1)

    def step(min_d, _):
        nxt = jnp.argmax(min_d, axis=-1).astype(jnp.int32)
        npt = jnp.take_along_axis(pts, nxt[:, None, None], axis=1)
        d = jnp.sum((pts - npt) ** 2, axis=-1)
        return jnp.minimum(min_d, d), nxt

    _, idxs = jax.lax.scan(step, d0, None, length=M - 1)
    idx0 = jnp.zeros((1, b), dtype=jnp.int32)
    return jnp.concatenate([idx0, idxs], axis=0).transpose(1, 0)


def _ball_query(q, p, k, radius):
    q = jax.lax.stop_gradient(q)
    p = jax.lax.stop_gradient(p)
    n = p.shape[1]
    d2 = (jnp.sum(q * q, -1)[:, :, None] + jnp.sum(p * p, -1)[:, None, :]
          - 2.0 * jnp.einsum('bmc,bnc->bmn', q, p))
    ar = jnp.arange(n, dtype=jnp.int32)
    vals = jnp.where(d2 <= radius * radius, ar[None, None, :], n)
    smallest = -jax.lax.top_k(-vals, k)[0]
    first = smallest[..., :1]
    first = jnp.where(first >= n, 0, first)
    return jnp.where(smallest >= n, first, smallest)


def _forward(s_points, s_feats, params):
    pts = jnp.transpose(s_points, (0, 2, 1))
    fts = jnp.transpose(s_feats, (0, 2, 1))
    fps_idx = _fps_indices(pts)
    q = jnp.take_along_axis(pts, fps_idx[:, :, None], axis=1)
    nidx = _ball_query(q, pts, K, RADIUS)
    gather = jax.vmap(lambda a, i: a[i])
    grouped_pts = gather(pts, nidx)
    grouped_fts = gather(fts, nidx)
    rel = grouped_pts - q[:, :, None, :]
    h = jnp.concatenate([rel, grouped_fts], axis=-1)
    for (W, bb, g, be) in params:
        h = jnp.einsum('bmkc,cd->bmkd', h, W) + bb
        mean = jnp.mean(h, axis=(0, 1, 2), keepdims=True)
        var = jnp.var(h, axis=(0, 1, 2), keepdims=True)
        h = (h - mean) / jnp.sqrt(var + 1e-5) * g + be
        h = jax.nn.relu(h)
    q_feats = jnp.max(h, axis=2)
    return jnp.transpose(q, (0, 2, 1)), jnp.transpose(q_feats, (0, 2, 1))


def setup_inputs(seed: int = 0):
    key = jax.random.key(seed)
    ks = jax.random.split(key, 16)
    inp = {
        's_points': jax.random.normal(ks[0], (B, 3, N), dtype=jnp.float32),
        's_feats': jax.random.normal(ks[1], (B, C_IN, N), dtype=jnp.float32),
    }
    for li in range(3):
        cin, cout = DIMS[li], DIMS[li + 1]
        inp['W%d' % (li + 1)] = jax.random.normal(ks[2 + li], (cin, cout), dtype=jnp.float32) * (1.0 / np.sqrt(cin))
        inp['b%d' % (li + 1)] = jnp.zeros((cout,), dtype=jnp.float32)
        inp['g%d' % (li + 1)] = jnp.ones((cout,), dtype=jnp.float32)
        inp['be%d' % (li + 1)] = jnp.zeros((cout,), dtype=jnp.float32)
    return inp


def reference(s_points, s_feats, W1, b1, g1, be1, W2, b2, g2, be2, W3, b3, g3, be3):
    params = [(W1, b1, g1, be1), (W2, b2, g2, be2), (W3, b3, g3, be3)]
    return _forward(s_points, s_feats, params)

if __name__ == "__main__":
    import jax
    _d = setup_inputs()
    print(jax.jit(kernel)(*tuple(_d.values())))

</pallas_src>

<mosaic_0001>
#map = affine_map<(d0, d1) -> (0, 0)>
#map1 = affine_map<(d0, d1) -> (0)>
module attributes {stable_mosaic.version = 14 : i64} {
  func.func @gk(%arg0: i32, %arg1: i32, %arg2: memref<16384x128xf32, #tpu.memory_space<hbm>>, %arg3: memref<65536xi32, #tpu.memory_space<hbm>>, %arg4: memref<65536x128xf32, #tpu.memory_space<hbm>>, %arg5: memref<128xi32, #tpu.memory_space<vmem>>, %arg6: memref<128x128xf32, #tpu.memory_space<vmem>>, %arg7: memref<!tpu.dma_semaphore, #tpu.memory_space<semaphore_mem>>) attributes {dimension_semantics = [#tpu.dimension_semantics<core_parallel>, #tpu.dimension_semantics<subcore_parallel>], iteration_bounds = array<i64: 2, 16>, scalar_prefetch = 0 : i64, scratch_operands = 3 : i64, tpu.core_type = #tpu.core_type<sc_vector_subcore>, window_params = [{transform_indices = #map}, {transform_indices = #map1}, {transform_indices = #map}]} {
    %mul3A = arith.constant 2 : i32
    %mul3A_0 = arith.muli %arg1, %mul3A : i32
    %add3A = arith.addi %mul3A_0, %arg0 : i32
    %mul3A_1 = arith.constant 2048 : i32
    %mul3A_2 = arith.muli %add3A, %mul3A_1 : i32
    %scan3A = arith.constant 0 : i32
    %scan3A_3 = arith.constant 0 : i32
    %scan3A_4 = arith.constant 16 : i32
    %scan3A_5 = arith.addi %scan3A_3, %scan3A_4 : i32
    %scan3A_6 = arith.constant 1 : i32
    scf.for %scan3A_8 = %scan3A_3 to %scan3A_5 step %scan3A_6  : i32 {
      %mul3A_9 = arith.constant 128 : i32
      %mul3A_10 = arith.muli %scan3A_8, %mul3A_9 : i32
      %add3A_11 = arith.addi %mul3A_2, %mul3A_10 : i32
      "tpu.region"() ({
        %run_scoped3A = tpu.sem_alloc : memref<!tpu.dma_semaphore, #tpu.memory_space<semaphore_mem>>
        %dma_start3A_16 = tpu.memref_slice %arg3[%add3A_11] : memref<65536xi32, #tpu.memory_space<hbm>> -> memref<128xi32, #tpu.memory_space<hbm>>
        %dma_start3A_17 = tpu.memref_slice %arg3[%add3A_11] : memref<65536xi32, #tpu.memory_space<hbm>> -> memref<128xi32, #tpu.memory_space<hbm>>
        tpu.enqueue_dma source(%dma_start3A_17 : memref<128xi32, #tpu.memory_space<hbm>>) target(%arg5 : memref<128xi32, #tpu.memory_space<vmem>>) target_semaphore(%run_scoped3A : memref<!tpu.dma_semaphore, #tpu.memory_space<semaphore_mem>>)
        %dma_wait3A_18 = tpu.memref_slice %arg3[%add3A_11] : memref<65536xi32, #tpu.memory_space<hbm>> -> memref<128xi32, #tpu.memory_space<hbm>>
        %dma_wait3A_19 = tpu.memref_slice %arg3[%add3A_11] : memref<65536xi32, #tpu.memory_space<hbm>> -> memref<128xi32, #tpu.memory_space<hbm>>
        tpu.wait_dma2 semaphore(%run_scoped3A : memref<!tpu.dma_semaphore, #tpu.memory_space<semaphore_mem>>) src(%dma_wait3A_19 : memref<128xi32, #tpu.memory_space<hbm>>) dst(%arg5 : memref<128xi32, #tpu.memory_space<vmem>>)
        tpu.yield
      }) : () -> ()
      %dma_start3A = arith.constant 0 : i32
      %dma_start3A_12 = arith.constant 0 : i32
      %dma_start3A_13 = tpu.memref_slice %arg2[%dma_start3A, %dma_start3A_12] : memref<16384x128xf32, #tpu.memory_space<hbm>> -> memref<16384x128xf32, #tpu.memory_space<hbm>>
      tpu.enqueue_indirect_dma source(%dma_start3A_13 : memref<16384x128xf32, #tpu.memory_space<hbm>>) target(%arg6 : memref<128x128xf32, #tpu.memory_space<vmem>>) offsets(%arg5 : memref<128xi32, #tpu.memory_space<vmem>>) semaphore(%arg7 : memref<!tpu.dma_semaphore, #tpu.memory_space<semaphore_mem>>)
      %dma_wait3A = arith.constant 0 : i32
      %dma_wait3A_14 = arith.constant 0 : i32
      %dma_wait3A_15 = tpu.memref_slice %arg2[%dma_wait3A, %dma_wait3A_14] : memref<16384x128xf32, #tpu.memory_space<hbm>> -> memref<16384x128xf32, #tpu.memory_space<hbm>>
      tpu.wait_indirect_dma semaphore(%arg7 : memref<!tpu.dma_semaphore, #tpu.memory_space<semaphore_mem>>) src(%dma_wait3A_15 : memref<16384x128xf32, #tpu.memory_space<hbm>>) dst(%arg6 : memref<128x128xf32, #tpu.memory_space<vmem>>)
      "tpu.region"() ({
        %run_scoped3A = tpu.sem_alloc : memref<!tpu.dma_semaphore, #tpu.memory_space<semaphore_mem>>
        %dma_start3A_16 = arith.constant 0 : i32
        %dma_start3A_17 = tpu.memref_slice %arg4[%add3A_11, %dma_start3A_16] : memref<65536x128xf32, #tpu.memory_space<hbm>> -> memref<128x128xf32, #tpu.memory_space<hbm>>
        %dma_start3A_18 = arith.constant 0 : i32
        %dma_start3A_19 = tpu.memref_slice %arg4[%add3A_11, %dma_start3A_18] : memref<65536x128xf32, #tpu.memory_space<hbm>> -> memref<128x128xf32, #tpu.memory_space<hbm>>
        tpu.enqueue_dma source(%arg6 : memref<128x128xf32, #tpu.memory_space<vmem>>) target(%dma_start3A_19 : memref<128x128xf32, #tpu.memory_space<hbm>>) target_semaphore(%run_scoped3A : memref<!tpu.dma_semaphore, #tpu.memory_space<semaphore_mem>>)
        %dma_wait3A_20 = arith.constant 0 : i32
        %dma_wait3A_21 = tpu.memref_slice %arg4[%add3A_11, %dma_wait3A_20] : memref<65536x128xf32, #tpu.memory_space<hbm>> -> memref<128x128xf32, #tpu.memory_space<hbm>>
        %dma_wait3A_22 = arith.constant 0 : i32
        %dma_wait3A_23 = tpu.memref_slice %arg4[%add3A_11, %dma_wait3A_22] : memref<65536x128xf32, #tpu.memory_space<hbm>> -> memref<128x128xf32, #tpu.memory_space<hbm>>
        tpu.wait_dma2 semaphore(%run_scoped3A : memref<!tpu.dma_semaphore, #tpu.memory_space<semaphore_mem>>) src(%arg6 : memref<128x128xf32, #tpu.memory_space<vmem>>) dst(%dma_wait3A_23 : memref<128x128xf32, #tpu.memory_space<hbm>>)
        tpu.yield
      }) : () -> ()
    }
    %scan3A_7 = arith.constant 16 : i32
    return
  }
}

module attributes {stable_mosaic.version = 14 : i64} {
  func.func @_bq_body(%arg0: i32, %arg1: i32, %arg2: memref<1x1x8192xf32, #tpu.memory_space<vmem>>, %arg3: memref<1x1x8192xf32, #tpu.memory_space<vmem>>, %arg4: memref<1x1x8192xf32, #tpu.memory_space<vmem>>, %arg5: memref<1x128x1xf32, #tpu.memory_space<vmem>>, %arg6: memref<1x128x1xf32, #tpu.memory_space<vmem>>, %arg7: memref<1x128x1xf32, #tpu.memory_space<vmem>>, %arg8: memref<1x128x32xi32, #tpu.memory_space<vmem>>) attributes {dimension_semantics = [#tpu.dimension_semantics<arbitrary>, #tpu.dimension_semantics<arbitrary>], iteration_bounds = array<i64: 2, 8>, scalar_prefetch = 0 : i64, scratch_operands = 0 : i64, tpu.core_type = #tpu.core_type<tc>, window_params = [{transform_indices = @transform_0, window_bounds = array<i64: 1, 1, 8192>}, {transform_indices = @transform_1, window_bounds = array<i64: 1, 1, 8192>}, {transform_indices = @transform_2, window_bounds = array<i64: 1, 1, 8192>}, {transform_indices = @transform_3, window_bounds = array<i64: 1, 128, 1>}, {transform_indices = @transform_4, window_bounds = array<i64: 1, 128, 1>}, {transform_indices = @transform_5, window_bounds = array<i64: 1, 128, 1>}, {transform_indices = @transform_6, window_bounds = array<i64: 1, 128, 32>}]} {
    %get3A = arith.constant 0 : index
    %get3A_0 = arith.constant 0 : index
    %get3A_1 = arith.constant 0 : index
    %get3A_2 = vector.load %arg2[%get3A, %get3A_0, %get3A_1] : memref<1x1x8192xf32, #tpu.memory_space<vmem>>, vector<1x1x8192xf32>
    %get3A_3 = vector.shape_cast %get3A_2 : vector<1x1x8192xf32> to vector<1x8192xf32>
    %get3A_4 = arith.constant 0 : index
    %get3A_5 = arith.constant 0 : index
    %get3A_6 = arith.constant 0 : index
    %get3A_7 = vector.load %arg3[%get3A_4, %get3A_5, %get3A_6] : memref<1x1x8192xf32, #tpu.memory_space<vmem>>, vector<1x1x8192xf32>
    %get3A_8 = vector.shape_cast %get3A_7 : vector<1x1x8192xf32> to vector<1x8192xf32>
    %get3A_9 = arith.constant 0 : index
    %get3A_10 = arith.constant 0 : index
    %get3A_11 = arith.constant 0 : index
    %get3A_12 = vector.load %arg4[%get3A_9, %get3A_10, %get3A_11] : memref<1x1x8192xf32, #tpu.memory_space<vmem>>, vector<1x1x8192xf32>
    %get3A_13 = vector.shape_cast %get3A_12 : vector<1x1x8192xf32> to vector<1x8192xf32>
    %get3A_14 = arith.constant 0 : index
    %get3A_15 = arith.constant 0 : index
    %get3A_16 = arith.constant 0 : index
    %get3A_17 = vector.load %arg5[%get3A_14, %get3A_15, %get3A_16] : memref<1x128x1xf32, #tpu.memory_space<vmem>>, vector<1x128x1xf32>
    %get3A_18 = vector.shape_cast %get3A_17 : vector<1x128x1xf32> to vector<128x1xf32>
    %get3A_19 = arith.constant 0 : index
    %get3A_20 = arith.constant 0 : index
    %get3A_21 = arith.constant 0 : index
    %get3A_22 = vector.load %arg6[%get3A_19, %get3A_20, %get3A_21] : memref<1x128x1xf32, #tpu.memory_space<vmem>>, vector<1x128x1xf32>
    %get3A_23 = vector.shape_cast %get3A_22 : vector<1x128x1xf32> to vector<128x1xf32>
    %get3A_24 = arith.constant 0 : index
    %get3A_25 = arith.constant 0 : index
    %get3A_26 = arith.constant 0 : index
    %get3A_27 = vector.load %arg7[%get3A_24, %get3A_25, %get3A_26] : memref<1x128x1xf32, #tpu.memory_space<vmem>>, vector<1x128x1xf32>
    %get3A_28 = vector.shape_cast %get3A_27 : vector<1x128x1xf32> to vector<128x1xf32>
    %concatenate3A = tpu.concatenate %get3A_18, %get3A_23, %get3A_28 in 1 : vector<128x1xf32>, vector<128x1xf32>, vector<128x1xf32> -> vector<128x3xf32>
    %concatenate3A_29 = tpu.concatenate %get3A_3, %get3A_8, %get3A_13 in 0 : vector<1x8192xf32>, vector<1x8192xf32>, vector<1x8192xf32> -> vector<3x8192xf32>
    %dot_general3A = arith.constant dense<0.000000e+00> : vector<128x8192xf32>
    %dot_general3A_30 = tpu.matmul %concatenate3A, %concatenate3A_29, %dot_general3A {dimension_numbers = #tpu.dot_dimension_numbers<[1], [0], [0], [1], [0, 0, 1, 1], [], []>, transpose_lhs_hint = false} : vector<128x3xf32>, vector<3x8192xf32>, vector<128x8192xf32> -> vector<128x8192xf32>
    %mul3A = arith.mulf %get3A_18, %get3A_18 : vector<128x1xf32>
    %mul3A_31 = arith.mulf %get3A_23, %get3A_23 : vector<128x1xf32>
    %add3A = arith.addf %mul3A, %mul3A_31 : vector<128x1xf32>
    %mul3A_32 = arith.mulf %get3A_28, %get3A_28 : vector<128x1xf32>
    %add3A_33 = arith.addf %add3A, %mul3A_32 : vector<128x1xf32>
    %mul3A_34 = arith.mulf %get3A_3, %get3A_3 : vector<1x8192xf32>
    %mul3A_35 = arith.mulf %get3A_8, %get3A_8 : vector<1x8192xf32>
    %add3A_36 = arith.addf %mul3A_34, %mul3A_35 : vector<1x8192xf32>
    %mul3A_37 = arith.mulf %get3A_13, %get3A_13 : vector<1x8192xf32>
    %add3A_38 = arith.addf %add3A_36, %mul3A_37 : vector<1x8192xf32>
    %add3A_39 = vector.broadcast %add3A_33 : vector<128x1xf32> to vector<128x8192xf32>
    %add3A_40 = vector.broadcast %add3A_38 : vector<1x8192xf32> to vector<128x8192xf32>
    %add3A_41 = arith.addf %add3A_39, %add3A_40 : vector<128x8192xf32>
    %mul3A_42 = arith.constant 2.000000e+00 : f32
    %mul3A_43 = vector.broadcast %mul3A_42 : f32 to vector<128x8192xf32>
    %mul3A_44 = arith.mulf %mul3A_43, %dot_general3A_30 : vector<128x8192xf32>
    %sub3A = arith.subf %add3A_41, %mul3A_44 : vector<128x8192xf32>
    %iota3A = tpu.iota {dimensions = array<i32: 1>} : vector<128x8192xi32>
    %convert_element_type3A = arith.sitofp %iota3A : vector<128x8192xi32> to vector<128x8192xf32>
    %le3A = arith.constant 6.400000e-01 : f32
    %le3A_45 = vector.broadcast %le3A : f32 to vector<128x8192xf32>
    %le3A_46 = arith.cmpf ole, %sub3A, %le3A_45 : vector<128x8192xf32>
    %jit3A = arith.constant 8.192000e+03 : f32
    %broadcast_in_dim3A = vector.broadcast %jit3A : f32 to vector<128x8192xf32>
    %select_n3A = arith.select %le3A_46, %convert_element_type3A, %broadcast_in_dim3A : vector<128x8192xi1>, vector<128x8192xf32>
    %reduce_min3A = arith.constant dense<0x7F800000> : vector<128xf32>
    %reduce_min3A_47 = vector.multi_reduction <minimumf>, %select_n3A, %reduce_min3A [1] : vector<128x8192xf32> to vector<128xf32>
    %broadcast_in_dim3A_48 = vector.shape_cast %reduce_min3A_47 : vector<128xf32> to vector<128x1xf32>
    %eq3A = vector.broadcast %broadcast_in_dim3A_48 : vector<128x1xf32> to vector<128x8192xf32>
    %eq3A_49 = arith.cmpf oeq, %select_n3A, %eq3A : vector<128x8192xf32>
    %jit3A_50 = arith.constant 8.192000e+03 : f32
    %broadcast_in_dim3A_51 = vector.broadcast %jit3A_50 : f32 to vector<128x8192xf32>
    %select_n3A_52 = arith.select %eq3A_49, %broadcast_in_dim3A_51, %select_n3A : vector<128x8192xi1>, vector<128x8192xf32>
    %reduce_min3A_53 = arith.constant dense<0x7F800000> : vector<128xf32>
    %reduce_min3A_54 = vector.multi_reduction <minimumf>, %select_n3A_52, %reduce_min3A_53 [1] : vector<128x8192xf32> to vector<128xf32>
    %broadcast_in_dim3A_55 = vector.shape_cast %reduce_min3A_54 : vector<128xf32> to vector<128x1xf32>
    %eq3A_56 = vector.broadcast %broadcast_in_dim3A_55 : vector<128x1xf32> to vector<128x8192xf32>
    %eq3A_57 = arith.cmpf oeq, %select_n3A_52, %eq3A_56 : vector<128x8192xf32>
    %jit3A_58 = arith.constant 8.192000e+03 : f32
    %broadcast_in_dim3A_59 = vector.broadcast %jit3A_58 : f32 to vector<128x8192xf32>
    %select_n3A_60 = arith.select %eq3A_57, %broadcast_in_dim3A_59, %select_n3A_52 : vector<128x8192xi1>, vector<128x8192xf32>
    %reduce_min3A_61 = arith.constant dense<0x7F800000> : vector<128xf32>
    %reduce_min3A_62 = vector.multi_reduction <minimumf>, %select_n3A_60, %reduce_min3A_61 [1] : vector<128x8192xf32> to vector<128xf32>
    %broadcast_in_dim3A_63 = vector.shape_cast %reduce_min3A_62 : vector<128xf32> to vector<128x1xf32>
    %eq3A_64 = vector.broadcast %broadcast_in_dim3A_63 : vector<128x1xf32> to vector<128x8192xf32>
    %eq3A_65 = arith.cmpf oeq, %select_n3A_60, %eq3A_64 : vector<128x8192xf32>
    %jit3A_66 = arith.constant 8.192000e+03 : f32
    %broadcast_in_dim3A_67 = vector.broadcast %jit3A_66 : f32 to vector<128x8192xf32>
    %select_n3A_68 = arith.select %eq3A_65, %broadcast_in_dim3A_67, %select_n3A_60 : vector<128x8192xi1>, vector<128x8192xf32>
    %reduce_min3A_69 = arith.constant dense<0x7F800000> : vector<128xf32>
    %reduce_min3A_70 = vector.multi_reduction <minimumf>, %select_n3A_68, %reduce_min3A_69 [1] : vector<128x8192xf32> to vector<128xf32>
    %broadcast_in_dim3A_71 = vector.shape_cast %reduce_min3A_70 : vector<128xf32> to vector<128x1xf32>
    %eq3A_72 = vector.broadcast %broadcast_in_dim3A_71 : vector<128x1xf32> to vector<128x8192xf32>
    %eq3A_73 = arith.cmpf oeq, %select_n3A_68, %eq3A_72 : vector<128x8192xf32>
    %jit3A_74 = arith.constant 8.192000e+03 : f32
    %broadcast_in_dim3A_75 = vector.broadcast %jit3A_74 : f32 to vector<128x8192xf32>
    %select_n3A_76 = arith.select %eq3A_73, %broadcast_in_dim3A_75, %select_n3A_68 : vector<128x8192xi1>, vector<128x8192xf32>
    %reduce_min3A_77 = arith.constant dense<0x7F800000> : vector<128xf32>
    %reduce_min3A_78 = vector.multi_reduction <minimumf>, %select_n3A_76, %reduce_min3A_77 [1] : vector<128x8192xf32> to vector<128xf32>
    %broadcast_in_dim3A_79 = vector.shape_cast %reduce_min3A_78 : vector<128xf32> to vector<128x1xf32>
    %eq3A_80 = vector.broadcast %broadcast_in_dim3A_79 : vector<128x1xf32> to vector<128x8192xf32>
    %eq3A_81 = arith.cmpf oeq, %select_n3A_76, %eq3A_80 : vector<128x8192xf32>
    %jit3A_82 = arith.constant 8.192000e+03 : f32
    %broadcast_in_dim3A_83 = vector.broadcast %jit3A_82 : f32 to vector<128x8192xf32>
    %select_n3A_84 = arith.select %eq3A_81, %broadcast_in_dim3A_83, %select_n3A_76 : vector<128x8192xi1>, vector<128x8192xf32>
    %reduce_min3A_85 = arith.constant dense<0x7F800000> : vector<128xf32>
    %reduce_min3A_86 = vector.multi_reduction <minimumf>, %select_n3A_84, %reduce_min3A_85 [1] : vector<128x8192xf32> to vector<128xf32>
    %broadcast_in_dim3A_87 = vector.shape_cast %reduce_min3A_86 : vector<128xf32> to vector<128x1xf32>
    %eq3A_88 = vector.broadcast %broadcast_in_dim3A_87 : vector<128x1xf32> to vector<128x8192xf32>
    %eq3A_89 = arith.cmpf oeq, %select_n3A_84, %eq3A_88 : vector<128x8192xf32>
    %jit3A_90 = arith.constant 8.192000e+03 : f32
    %broadcast_in_dim3A_91 = vector.broadcast %jit3A_90 : f32 to vector<128x8192xf32>
    %select_n3A_92 = arith.select %eq3A_89, %broadcast_in_dim3A_91, %select_n3A_84 : vector<128x8192xi1>, vector<128x8192xf32>
    %reduce_min3A_93 = arith.constant dense<0x7F800000> : vector<128xf32>
    %reduce_min3A_94 = vector.multi_reduction <minimumf>, %select_n3A_92, %reduce_min3A_93 [1] : vector<128x8192xf32> to vector<128xf32>
    %broadcast_in_dim3A_95 = vector.shape_cast %reduce_min3A_94 : vector<128xf32> to vector<128x1xf32>
    %eq3A_96 = vector.broadcast %broadcast_in_dim3A_95 : vector<128x1xf32> to vector<128x8192xf32>
    %eq3A_97 = arith.cmpf oeq, %select_n3A_92, %eq3A_96 : vector<128x8192xf32>
    %jit3A_98 = arith.constant 8.192000e+03 : f32
    %broadcast_in_dim3A_99 = vector.broadcast %jit3A_98 : f32 to vector<128x8192xf32>
    %select_n3A_100 = arith.select %eq3A_97, %broadcast_in_dim3A_99, %select_n3A_92 : vector<128x8192xi1>, vector<128x8192xf32>
    %reduce_min3A_101 = arith.constant dense<0x7F800000> : vector<128xf32>
    %reduce_min3A_102 = vector.multi_reduction <minimumf>, %select_n3A_100, %reduce_min3A_101 [1] : vector<128x8192xf32> to vector<128xf32>
    %broadcast_in_dim3A_103 = vector.shape_cast %reduce_min3A_102 : vector<128xf32> to vector<128x1xf32>
    %eq3A_104 = vector.broadcast %broadcast_in_dim3A_103 : vector<128x1xf32> to vector<128x8192xf32>
    %eq3A_105 = arith.cmpf oeq, %select_n3A_100, %eq3A_104 : vector<128x8192xf32>
    %jit3A_106 = arith.constant 8.192000e+03 : f32
    %broadcast_in_dim3A_107 = vector.broadcast %jit3A_106 : f32 to vector<128x8192xf32>
    %select_n3A_108 = arith.select %eq3A_105, %broadcast_in_dim3A_107, %select_n3A_100 : vector<128x8192xi1>, vector<128x8192xf32>
    %reduce_min3A_109 = arith.constant dense<0x7F800000> : vector<128xf32>
    %reduce_min3A_110 = vector.multi_reduction <minimumf>, %select_n3A_108, %reduce_min3A_109 [1] : vector<128x8192xf32> to vector<128xf32>
    %broadcast_in_dim3A_111 = vector.shape_cast %reduce_min3A_110 : vector<128xf32> to vector<128x1xf32>
    %eq3A_112 = vector.broadcast %broadcast_in_dim3A_111 : vector<128x1xf32> to vector<128x8192xf32>
    %eq3A_113 = arith.cmpf oeq, %select_n3A_108, %eq3A_112 : vector<128x8192xf32>
    %jit3A_114 = arith.constant 8.192000e+03 : f32
    %broadcast_in_dim3A_115 = vector.broadcast %jit3A_114 : f32 to vector<128x8192xf32>
    %select_n3A_116 = arith.select %eq3A_113, %broadcast_in_dim3A_115, %select_n3A_108 : vector<128x8192xi1>, vector<128x8192xf32>
    %reduce_min3A_117 = arith.constant dense<0x7F800000> : vector<128xf32>
    %reduce_min3A_118 = vector.multi_reduction <minimumf>, %select_n3A_116, %reduce_min3A_117 [1] : vector<128x8192xf32> to vector<128xf32>
    %broadcast_in_dim3A_119 = vector.shape_cast %reduce_min3A_118 : vector<128xf32> to vector<128x1xf32>
    %eq3A_120 = vector.broadcast %broadcast_in_dim3A_119 : vector<128x1xf32> to vector<128x8192xf32>
    %eq3A_121 = arith.cmpf oeq, %select_n3A_116, %eq3A_120 : vector<128x8192xf32>
    %jit3A_122 = arith.constant 8.192000e+03 : f32
    %broadcast_in_dim3A_123 = vector.broadcast %jit3A_122 : f32 to vector<128x8192xf32>
    %select_n3A_124 = arith.select %eq3A_121, %broadcast_in_dim3A_123, %select_n3A_116 : vector<128x8192xi1>, vector<128x8192xf32>
    %reduce_min3A_125 = arith.constant dense<0x7F800000> : vector<128xf32>
    %reduce_min3A_126 = vector.multi_reduction <minimumf>, %select_n3A_124, %reduce_min3A_125 [1] : vector<128x8192xf32> to vector<128xf32>
    %broadcast_in_dim3A_127 = vector.shape_cast %reduce_min3A_126 : vector<128xf32> to vector<128x1xf32>
    %eq3A_128 = vector.broadcast %broadcast_in_dim3A_127 : vector<128x1xf32> to vector<128x8192xf32>
    %eq3A_129 = arith.cmpf oeq, %select_n3A_124, %eq3A_128 : vector<128x8192xf32>
    %jit3A_130 = arith.constant 8.192000e+03 : f32
    %broadcast_in_dim3A_131 = vector.broadcast %jit3A_130 : f32 to vector<128x8192xf32>
    %select_n3A_132 = arith.select %eq3A_129, %broadcast_in_dim3A_131, %select_n3A_124 : vector<128x8192xi1>, vector<128x8192xf32>
    %reduce_min3A_133 = arith.constant dense<0x7F800000> : vector<128xf32>
    %reduce_min3A_134 = vector.multi_reduction <minimumf>, %select_n3A_132, %reduce_min3A_133 [1] : vector<128x8192xf32> to vector<128xf32>
    %broadcast_in_dim3A_135 = vector.shape_cast %reduce_min3A_134 : vector<128xf32> to vector<128x1xf32>
    %eq3A_136 = vector.broadcast %broadcast_in_dim3A_135 : vector<128x1xf32> to vector<128x8192xf32>
    %eq3A_137 = arith.cmpf oeq, %select_n3A_132, %eq3A_136 : vector<128x8192xf32>
    %jit3A_138 = arith.constant 8.192000e+03 : f32
    %broadcast_in_dim3A_139 = vector.broadcast %jit3A_138 : f32 to vector<128x8192xf32>
    %select_n3A_140 = arith.select %eq3A_137, %broadcast_in_dim3A_139, %select_n3A_132 : vector<128x8192xi1>, vector<128x8192xf32>
    %reduce_min3A_141 = arith.constant dense<0x7F800000> : vector<128xf32>
    %reduce_min3A_142 = vector.multi_reduction <minimumf>, %select_n3A_140, %reduce_min3A_141 [1] : vector<128x8192xf32> to vector<128xf32>
    %broadcast_in_dim3A_143 = vector.shape_cast %reduce_min3A_142 : vector<128xf32> to vector<128x1xf32>
    %eq3A_144 = vector.broadcast %broadcast_in_dim3A_143 : vector<128x1xf32> to vector<128x8192xf32>
    %eq3A_145 = arith.cmpf oeq, %select_n3A_140, %eq3A_144 : vector<128x8192xf32>
    %jit3A_146 = arith.constant 8.192000e+03 : f32
    %broadcast_in_dim3A_147 = vector.broadcast %jit3A_146 : f32 to vector<128x8192xf32>
    %select_n3A_148 = arith.select %eq3A_145, %broadcast_in_dim3A_147, %select_n3A_140 : vector<128x8192xi1>, vector<128x8192xf32>
    %reduce_min3A_149 = arith.constant dense<0x7F800000> : vector<128xf32>
    %reduce_min3A_150 = vector.multi_reduction <minimumf>, %select_n3A_148, %reduce_min3A_149 [1] : vector<128x8192xf32> to vector<128xf32>
    %broadcast_in_dim3A_151 = vector.shape_cast %reduce_min3A_150 : vector<128xf32> to vector<128x1xf32>
    %eq3A_152 = vector.broadcast %broadcast_in_dim3A_151 : vector<128x1xf32> to vector<128x8192xf32>
    %eq3A_153 = arith.cmpf oeq, %select_n3A_148, %eq3A_152 : vector<128x8192xf32>
    %jit3A_154 = arith.constant 8.192000e+03 : f32
    %broadcast_in_dim3A_155 = vector.broadcast %jit3A_154 : f32 to vector<128x8192xf32>
    %select_n3A_156 = arith.select %eq3A_153, %broadcast_in_dim3A_155, %select_n3A_148 : vector<128x8192xi1>, vector<128x8192xf32>
    %reduce_min3A_157 = arith.constant dense<0x7F800000> : vector<128xf32>
    %reduce_min3A_158 = vector.multi_reduction <minimumf>, %select_n3A_156, %reduce_min3A_157 [1] : vector<128x8192xf32> to vector<128xf32>
    %broadcast_in_dim3A_159 = vector.shape_cast %reduce_min3A_158 : vector<128xf32> to vector<128x1xf32>
    %eq3A_160 = vector.broadcast %broadcast_in_dim3A_159 : vector<128x1xf32> to vector<128x8192xf32>
    %eq3A_161 = arith.cmpf oeq, %select_n3A_156, %eq3A_160 : vector<128x8192xf32>
    %jit3A_162 = arith.constant 8.192000e+03 : f32
    %broadcast_in_dim3A_163 = vector.broadcast %jit3A_162 : f32 to vector<128x8192xf32>
    %select_n3A_164 = arith.select %eq3A_161, %broadcast_in_dim3A_163, %select_n3A_156 : vector<128x8192xi1>, vector<128x8192xf32>
    %reduce_min3A_165 = arith.constant dense<0x7F800000> : vector<128xf32>
    %reduce_min3A_166 = vector.multi_reduction <minimumf>, %select_n3A_164, %reduce_min3A_165 [1] : vector<128x8192xf32> to vector<128xf32>
    %broadcast_in_dim3A_167 = vector.shape_cast %reduce_min3A_166 : vector<128xf32> to vector<128x1xf32>
    %eq3A_168 = vector.broadcast %broadcast_in_dim3A_167 : vector<128x1xf32> to vector<128x8192xf32>
    %eq3A_169 = arith.cmpf oeq, %select_n3A_164, %eq3A_168 : vector<128x8192xf32>
    %jit3A_170 = arith.constant 8.192000e+03 : f32
    %broadcast_in_dim3A_171 = vector.broadcast %jit3A_170 : f32 to vector<128x8192xf32>
    %select_n3A_172 = arith.select %eq3A_169, %broadcast_in_dim3A_171, %select_n3A_164 : vector<128x8192xi1>, vector<128x8192xf32>
    %reduce_min3A_173 = arith.constant dense<0x7F800000> : vector<128xf32>
    %reduce_min3A_174 = vector.multi_reduction <minimumf>, %select_n3A_172, %reduce_min3A_173 [1] : vector<128x8192xf32> to vector<128xf32>
    %broadcast_in_dim3A_175 = vector.shape_cast %reduce_min3A_174 : vector<128xf32> to vector<128x1xf32>
    %eq3A_176 = vector.broadcast %broadcast_in_dim3A_175 : vector<128x1xf32> to vector<128x8192xf32>
    %eq3A_177 = arith.cmpf oeq, %select_n3A_172, %eq3A_176 : vector<128x8192xf32>
    %jit3A_178 = arith.constant 8.192000e+03 : f32
    %broadcast_in_dim3A_179 = vector.broadcast %jit3A_178 : f32 to vector<128x8192xf32>
    %select_n3A_180 = arith.select %eq3A_177, %broadcast_in_dim3A_179, %select_n3A_172 : vector<128x8192xi1>, vector<128x8192xf32>
    %reduce_min3A_181 = arith.constant dense<0x7F800000> : vector<128xf32>
    %reduce_min3A_182 = vector.multi_reduction <minimumf>, %select_n3A_180, %reduce_min3A_181 [1] : vector<128x8192xf32> to vector<128xf32>
    %broadcast_in_dim3A_183 = vector.shape_cast %reduce_min3A_182 : vector<128xf32> to vector<128x1xf32>
    %eq3A_184 = vector.broadcast %broadcast_in_dim3A_183 : vector<128x1xf32> to vector<128x8192xf32>
    %eq3A_185 = arith.cmpf oeq, %select_n3A_180, %eq3A_184 : vector<128x8192xf32>
    %jit3A_186 = arith.constant 8.192000e+03 : f32
    %broadcast_in_dim3A_187 = vector.broadcast %jit3A_186 : f32 to vector<128x8192xf32>
    %select_n3A_188 = arith.select %eq3A_185, %broadcast_in_dim3A_187, %select_n3A_180 : vector<128x8192xi1>, vector<128x8192xf32>
    %reduce_min3A_189 = arith.constant dense<0x7F800000> : vector<128xf32>
    %reduce_min3A_190 = vector.multi_reduction <minimumf>, %select_n3A_188, %reduce_min3A_189 [1] : vector<128x8192xf32> to vector<128xf32>
    %broadcast_in_dim3A_191 = vector.shape_cast %reduce_min3A_190 : vector<128xf32> to vector<128x1xf32>
    %eq3A_192 = vector.broadcast %broadcast_in_dim3A_191 : vector<128x1xf32> to vector<128x8192xf32>
    %eq3A_193 = arith.cmpf oeq, %select_n3A_188, %eq3A_192 : vector<128x8192xf32>
    %jit3A_194 = arith.constant 8.192000e+03 : f32
    %broadcast_in_dim3A_195 = vector.broadcast %jit3A_194 : f32 to vector<128x8192xf32>
    %select_n3A_196 = arith.select %eq3A_193, %broadcast_in_dim3A_195, %select_n3A_188 : vector<128x8192xi1>, vector<128x8192xf32>
    %reduce_min3A_197 = arith.constant dense<0x7F800000> : vector<128xf32>
    %reduce_min3A_198 = vector.multi_reduction <minimumf>, %select_n3A_196, %reduce_min3A_197 [1] : vector<128x8192xf32> to vector<128xf32>
    %broadcast_in_dim3A_199 = vector.shape_cast %reduce_min3A_198 : vector<128xf32> to vector<128x1xf32>
    %eq3A_200 = vector.broadcast %broadcast_in_dim3A_199 : vector<128x1xf32> to vector<128x8192xf32>
    %eq3A_201 = arith.cmpf oeq, %select_n3A_196, %eq3A_200 : vector<128x8192xf32>
    %jit3A_202 = arith.constant 8.192000e+03 : f32
    %broadcast_in_dim3A_203 = vector.broadcast %jit3A_202 : f32 to vector<128x8192xf32>
    %select_n3A_204 = arith.select %eq3A_201, %broadcast_in_dim3A_203, %select_n3A_196 : vector<128x8192xi1>, vector<128x8192xf32>
    %reduce_min3A_205 = arith.constant dense<0x7F800000> : vector<128xf32>
    %reduce_min3A_206 = vector.multi_reduction <minimumf>, %select_n3A_204, %reduce_min3A_205 [1] : vector<128x8192xf32> to vector<128xf32>
    %broadcast_in_dim3A_207 = vector.shape_cast %reduce_min3A_206 : vector<128xf32> to vector<128x1xf32>
    %eq3A_208 = vector.broadcast %broadcast_in_dim3A_207 : vector<128x1xf32> to vector<128x8192xf32>
    %eq3A_209 = arith.cmpf oeq, %select_n3A_204, %eq3A_208 : vector<128x8192xf32>
    %jit3A_210 = arith.constant 8.192000e+03 : f32
    %broadcast_in_dim3A_211 = vector.broadcast %jit3A_210 : f32 to vector<128x8192xf32>
    %select_n3A_212 = arith.select %eq3A_209, %broadcast_in_dim3A_211, %select_n3A_204 : vector<128x8192xi1>, vector<128x8192xf32>
    %reduce_min3A_213 = arith.constant dense<0x7F800000> : vector<128xf32>
    %reduce_min3A_214 = vector.multi_reduction <minimumf>, %select_n3A_212, %reduce_min3A_213 [1] : vector<128x8192xf32> to vector<128xf32>
    %broadcast_in_dim3A_215 = vector.shape_cast %reduce_min3A_214 : vector<128xf32> to vector<128x1xf32>
    %eq3A_216 = vector.broadcast %broadcast_in_dim3A_215 : vector<128x1xf32> to vector<128x8192xf32>
    %eq3A_217 = arith.cmpf oeq, %select_n3A_212, %eq3A_216 : vector<128x8192xf32>
    %jit3A_218 = arith.constant 8.192000e+03 : f32
    %broadcast_in_dim3A_219 = vector.broadcast %jit3A_218 : f32 to vector<128x8192xf32>
    %select_n3A_220 = arith.select %eq3A_217, %broadcast_in_dim3A_219, %select_n3A_212 : vector<128x8192xi1>, vector<128x8192xf32>
    %reduce_min3A_221 = arith.constant dense<0x7F800000> : vector<128xf32>
    %reduce_min3A_222 = vector.multi_reduction <minimumf>, %select_n3A_220, %reduce_min3A_221 [1] : vector<128x8192xf32> to vector<128xf32>
    %broadcast_in_dim3A_223 = vector.shape_cast %reduce_min3A_222 : vector<128xf32> to vector<128x1xf32>
    %eq3A_224 = vector.broadcast %broadcast_in_dim3A_223 : vector<128x1xf32> to vector<128x8192xf32>
    %eq3A_225 = arith.cmpf oeq, %select_n3A_220, %eq3A_224 : vector<128x8192xf32>
    %jit3A_226 = arith.constant 8.192000e+03 : f32
    %broadcast_in_dim3A_227 = vector.broadcast %jit3A_226 : f32 to vector<128x8192xf32>
    %select_n3A_228 = arith.select %eq3A_225, %broadcast_in_dim3A_227, %select_n3A_220 : vector<128x8192xi1>, vector<128x8192xf32>
    %reduce_min3A_229 = arith.constant dense<0x7F800000> : vector<128xf32>
    %reduce_min3A_230 = vector.multi_reduction <minimumf>, %select_n3A_228, %reduce_min3A_229 [1] : vector<128x8192xf32> to vector<128xf32>
    %broadcast_in_dim3A_231 = vector.shape_cast %reduce_min3A_230 : vector<128xf32> to vector<128x1xf32>
    %eq3A_232 = vector.broadcast %broadcast_in_dim3A_231 : vector<128x1xf32> to vector<128x8192xf32>
    %eq3A_233 = arith.cmpf oeq, %select_n3A_228, %eq3A_232 : vector<128x8192xf32>
    %jit3A_234 = arith.constant 8.192000e+03 : f32
    %broadcast_in_dim3A_235 = vector.broadcast %jit3A_234 : f32 to vector<128x8192xf32>
    %select_n3A_236 = arith.select %eq3A_233, %broadcast_in_dim3A_235, %select_n3A_228 : vector<128x8192xi1>, vector<128x8192xf32>
    %reduce_min3A_237 = arith.constant dense<0x7F800000> : vector<128xf32>
    %reduce_min3A_238 = vector.multi_reduction <minimumf>, %select_n3A_236, %reduce_min3A_237 [1] : vector<128x8192xf32> to vector<128xf32>
    %broadcast_in_dim3A_239 = vector.shape_cast %reduce_min3A_238 : vector<128xf32> to vector<128x1xf32>
    %eq3A_240 = vector.broadcast %broadcast_in_dim3A_239 : vector<128x1xf32> to vector<128x8192xf32>
    %eq3A_241 = arith.cmpf oeq, %select_n3A_236, %eq3A_240 : vector<128x8192xf32>
    %jit3A_242 = arith.constant 8.192000e+03 : f32
    %broadcast_in_dim3A_243 = vector.broadcast %jit3A_242 : f32 to vector<128x8192xf32>
    %select_n3A_244 = arith.select %eq3A_241, %broadcast_in_dim3A_243, %select_n3A_236 : vector<128x8192xi1>, vector<128x8192xf32>
    %reduce_min3A_245 = arith.constant dense<0x7F800000> : vector<128xf32>
    %reduce_min3A_246 = vector.multi_reduction <minimumf>, %select_n3A_244, %reduce_min3A_245 [1] : vector<128x8192xf32> to vector<128xf32>
    %broadcast_in_dim3A_247 = vector.shape_cast %reduce_min3A_246 : vector<128xf32> to vector<128x1xf32>
    %eq3A_248 = vector.broadcast %broadcast_in_dim3A_247 : vector<128x1xf32> to vector<128x8192xf32>
    %eq3A_249 = arith.cmpf oeq, %select_n3A_244, %eq3A_248 : vector<128x8192xf32>
    %jit3A_250 = arith.constant 8.192000e+03 : f32
    %broadcast_in_dim3A_251 = vector.broadcast %jit3A_250 : f32 to vector<128x8192xf32>
    %select_n3A_252 = arith.select %eq3A_249, %broadcast_in_dim3A_251, %select_n3A_244 : vector<128x8192xi1>, vector<128x8192xf32>
    %reduce_min3A_253 = arith.constant dense<0x7F800000> : vector<128xf32>
    %reduce_min3A_254 = vector.multi_reduction <minimumf>, %select_n3A_252, %reduce_min3A_253 [1] : vector<128x8192xf32> to vector<128xf32>
    %broadcast_in_dim3A_255 = vector.shape_cast %reduce_min3A_254 : vector<128xf32> to vector<128x1xf32>
    %eq3A_256 = vector.broadcast %broadcast_in_dim3A_255 : vector<128x1xf32> to vector<128x8192xf32>
    %eq3A_257 = arith.cmpf oeq, %select_n3A_252, %eq3A_256 : vector<128x8192xf32>
    %jit3A_258 = arith.constant 8.192000e+03 : f32
    %broadcast_in_dim3A_259 = vector.broadcast %jit3A_258 : f32 to vector<128x8192xf32>
    %select_n3A_260 = arith.select %eq3A_257, %broadcast_in_dim3A_259, %select_n3A_252 : vector<128x8192xi1>, vector<128x8192xf32>
    %reduce_min3A_261 = arith.constant dense<0x7F800000> : vector<128xf32>
    %reduce_min3A_262 = vector.multi_reduction <minimumf>, %select_n3A_260, %reduce_min3A_261 [1] : vector<128x8192xf32> to vector<128xf32>
    %broadcast_in_dim3A_263 = vector.shape_cast %reduce_min3A_262 : vector<128xf32> to vector<128x1xf32>
    %eq3A_264 = vector.broadcast %broadcast_in_dim3A_263 : vector<128x1xf32> to vector<128x8192xf32>
    %eq3A_265 = arith.cmpf oeq, %select_n3A_260, %eq3A_264 : vector<128x8192xf32>
    %jit3A_266 = arith.constant 8.192000e+03 : f32
    %broadcast_in_dim3A_267 = vector.broadcast %jit3A_266 : f32 to vector<128x8192xf32>
    %select_n3A_268 = arith.select %eq3A_265, %broadcast_in_dim3A_267, %select_n3A_260 : vector<128x8192xi1>, vector<128x8192xf32>
    %reduce_min3A_269 = arith.constant dense<0x7F800000> : vector<128xf32>
    %reduce_min3A_270 = vector.multi_reduction <minimumf>, %select_n3A_268, %reduce_min3A_269 [1] : vector<128x8192xf32> to vector<128xf32>
    %broadcast_in_dim3A_271 = vector.shape_cast %reduce_min3A_270 : vector<128xf32> to vector<128x1xf32>
    %eq3A_272 = vector.broadcast %broadcast_in_dim3A_271 : vector<128x1xf32> to vector<128x8192xf32>
    %eq3A_273 = arith.cmpf oeq, %select_n3A_268, %eq3A_272 : vector<128x8192xf32>
    %jit3A_274 = arith.constant 8.192000e+03 : f32
    %broadcast_in_dim3A_275 = vector.broadcast %jit3A_274 : f32 to vector<128x8192xf32>
    %select_n3A_276 = arith.select %eq3A_273, %broadcast_in_dim3A_275, %select_n3A_268 : vector<128x8192xi1>, vector<128x8192xf32>
    %reduce_min3A_277 = arith.constant dense<0x7F800000> : vector<128xf32>
    %reduce_min3A_278 = vector.multi_reduction <minimumf>, %select_n3A_276, %reduce_min3A_277 [1] : vector<128x8192xf32> to vector<128xf32>
    %broadcast_in_dim3A_279 = vector.shape_cast %reduce_min3A_278 : vector<128xf32> to vector<128x1xf32>
    %eq3A_280 = vector.broadcast %broadcast_in_dim3A_279 : vector<128x1xf32> to vector<128x8192xf32>
    %eq3A_281 = arith.cmpf oeq, %select_n3A_276, %eq3A_280 : vector<128x8192xf32>
    %jit3A_282 = arith.constant 8.192000e+03 : f32
    %broadcast_in_dim3A_283 = vector.broadcast %jit3A_282 : f32 to vector<128x8192xf32>
    %select_n3A_284 = arith.select %eq3A_281, %broadcast_in_dim3A_283, %select_n3A_276 : vector<128x8192xi1>, vector<128x8192xf32>
    %reduce_min3A_285 = arith.constant dense<0x7F800000> : vector<128xf32>
    %reduce_min3A_286 = vector.multi_reduction <minimumf>, %select_n3A_284, %reduce_min3A_285 [1] : vector<128x8192xf32> to vector<128xf32>
    %broadcast_in_dim3A_287 = vector.shape_cast %reduce_min3A_286 : vector<128xf32> to vector<128x1xf32>
    %eq3A_288 = vector.broadcast %broadcast_in_dim3A_287 : vector<128x1xf32> to vector<128x8192xf32>
    %eq3A_289 = arith.cmpf oeq, %select_n3A_284, %eq3A_288 : vector<128x8192xf32>
    %jit3A_290 = arith.constant 8.192000e+03 : f32
    %broadcast_in_dim3A_291 = vector.broadcast %jit3A_290 : f32 to vector<128x8192xf32>
    %select_n3A_292 = arith.select %eq3A_289, %broadcast_in_dim3A_291, %select_n3A_284 : vector<128x8192xi1>, vector<128x8192xf32>
    %reduce_min3A_293 = arith.constant dense<0x7F800000> : vector<128xf32>
    %reduce_min3A_294 = vector.multi_reduction <minimumf>, %select_n3A_292, %reduce_min3A_293 [1] : vector<128x8192xf32> to vector<128xf32>
    %broadcast_in_dim3A_295 = vector.shape_cast %reduce_min3A_294 : vector<128xf32> to vector<128x1xf32>
    %ge3A = arith.constant 8.192000e+03 : f32
    %ge3A_296 = vector.broadcast %ge3A : f32 to vector<128x1xf32>
    %ge3A_297 = arith.cmpf oge, %broadcast_in_dim3A_48, %ge3A_296 : vector<128x1xf32>
    %jit3A_298 = arith.constant 0.000000e+00 : f32
    %broadcast_in_dim3A_299 = vector.broadcast %jit3A_298 : f32 to vector<128x1xf32>
    %select_n3A_300 = arith.select %ge3A_297, %broadcast_in_dim3A_299, %broadcast_in_dim3A_48 : vector<128x1xi1>, vector<128x1xf32>
    %ge3A_301 = arith.constant 8.192000e+03 : f32
    %ge3A_302 = vector.broadcast %ge3A_301 : f32 to vector<128x1xf32>
    %ge3A_303 = arith.cmpf oge, %broadcast_in_dim3A_55, %ge3A_302 : vector<128x1xf32>
    %select_n3A_304 = arith.select %ge3A_303, %select_n3A_300, %broadcast_in_dim3A_55 : vector<128x1xi1>, vector<128x1xf32>
    %ge3A_305 = arith.constant 8.192000e+03 : f32
    %ge3A_306 = vector.broadcast %ge3A_305 : f32 to vector<128x1xf32>
    %ge3A_307 = arith.cmpf oge, %broadcast_in_dim3A_63, %ge3A_306 : vector<128x1xf32>
    %select_n3A_308 = arith.select %ge3A_307, %select_n3A_300, %broadcast_in_dim3A_63 : vector<128x1xi1>, vector<128x1xf32>
    %ge3A_309 = arith.constant 8.192000e+03 : f32
    %ge3A_310 = vector.broadcast %ge3A_309 : f32 to vector<128x1xf32>
    %ge3A_311 = arith.cmpf oge, %broadcast_in_dim3A_71, %ge3A_310 : vector<128x1xf32>
    %select_n3A_312 = arith.select %ge3A_311, %select_n3A_300, %broadcast_in_dim3A_71 : vector<128x1xi1>, vector<128x1xf32>
    %ge3A_313 = arith.constant 8.192000e+03 : f32
    %ge3A_314 = vector.broadcast %ge3A_313 : f32 to vector<128x1xf32>
    %ge3A_315 = arith.cmpf oge, %broadcast_in_dim3A_79, %ge3A_314 : vector<128x1xf32>
    %select_n3A_316 = arith.select %ge3A_315, %select_n3A_300, %broadcast_in_dim3A_79 : vector<128x1xi1>, vector<128x1xf32>
    %ge3A_317 = arith.constant 8.192000e+03 : f32
    %ge3A_318 = vector.broadcast %ge3A_317 : f32 to vector<128x1xf32>
    %ge3A_319 = arith.cmpf oge, %broadcast_in_dim3A_87, %ge3A_318 : vector<128x1xf32>
    %select_n3A_320 = arith.select %ge3A_319, %select_n3A_300, %broadcast_in_dim3A_87 : vector<128x1xi1>, vector<128x1xf32>
    %ge3A_321 = arith.constant 8.192000e+03 : f32
    %ge3A_322 = vector.broadcast %ge3A_321 : f32 to vector<128x1xf32>
    %ge3A_323 = arith.cmpf oge, %broadcast_in_dim3A_95, %ge3A_322 : vector<128x1xf32>
    %select_n3A_324 = arith.select %ge3A_323, %select_n3A_300, %broadcast_in_dim3A_95 : vector<128x1xi1>, vector<128x1xf32>
    %ge3A_325 = arith.constant 8.192000e+03 : f32
    %ge3A_326 = vector.broadcast %ge3A_325 : f32 to vector<128x1xf32>
    %ge3A_327 = arith.cmpf oge, %broadcast_in_dim3A_103, %ge3A_326 : vector<128x1xf32>
    %select_n3A_328 = arith.select %ge3A_327, %select_n3A_300, %broadcast_in_dim3A_103 : vector<128x1xi1>, vector<128x1xf32>
    %ge3A_329 = arith.constant 8.192000e+03 : f32
    %ge3A_330 = vector.broadcast %ge3A_329 : f32 to vector<128x1xf32>
    %ge3A_331 = arith.cmpf oge, %broadcast_in_dim3A_111, %ge3A_330 : vector<128x1xf32>
    %select_n3A_332 = arith.select %ge3A_331, %select_n3A_300, %broadcast_in_dim3A_111 : vector<128x1xi1>, vector<128x1xf32>
    %ge3A_333 = arith.constant 8.192000e+03 : f32
    %ge3A_334 = vector.broadcast %ge3A_333 : f32 to vector<128x1xf32>
    %ge3A_335 = arith.cmpf oge, %broadcast_in_dim3A_119, %ge3A_334 : vector<128x1xf32>
    %select_n3A_336 = arith.select %ge3A_335, %select_n3A_300, %broadcast_in_dim3A_119 : vector<128x1xi1>, vector<128x1xf32>
    %ge3A_337 = arith.constant 8.192000e+03 : f32
    %ge3A_338 = vector.broadcast %ge3A_337 : f32 to vector<128x1xf32>
    %ge3A_339 = arith.cmpf oge, %broadcast_in_dim3A_127, %ge3A_338 : vector<128x1xf32>
    %select_n3A_340 = arith.select %ge3A_339, %select_n3A_300, %broadcast_in_dim3A_127 : vector<128x1xi1>, vector<128x1xf32>
    %ge3A_341 = arith.constant 8.192000e+03 : f32
    %ge3A_342 = vector.broadcast %ge3A_341 : f32 to vector<128x1xf32>
    %ge3A_343 = arith.cmpf oge, %broadcast_in_dim3A_135, %ge3A_342 : vector<128x1xf32>
    %select_n3A_344 = arith.select %ge3A_343, %select_n3A_300, %broadcast_in_dim3A_135 : vector<128x1xi1>, vector<128x1xf32>
    %ge3A_345 = arith.constant 8.192000e+03 : f32
    %ge3A_346 = vector.broadcast %ge3A_345 : f32 to vector<128x1xf32>
    %ge3A_347 = arith.cmpf oge, %broadcast_in_dim3A_143, %ge3A_346 : vector<128x1xf32>
    %select_n3A_348 = arith.select %ge3A_347, %select_n3A_300, %broadcast_in_dim3A_143 : vector<128x1xi1>, vector<128x1xf32>
    %ge3A_349 = arith.constant 8.192000e+03 : f32
    %ge3A_350 = vector.broadcast %ge3A_349 : f32 to vector<128x1xf32>
    %ge3A_351 = arith.cmpf oge, %broadcast_in_dim3A_151, %ge3A_350 : vector<128x1xf32>
    %select_n3A_352 = arith.select %ge3A_351, %select_n3A_300, %broadcast_in_dim3A_151 : vector<128x1xi1>, vector<128x1xf32>
    %ge3A_353 = arith.constant 8.192000e+03 : f32
    %ge3A_354 = vector.broadcast %ge3A_353 : f32 to vector<128x1xf32>
    %ge3A_355 = arith.cmpf oge, %broadcast_in_dim3A_159, %ge3A_354 : vector<128x1xf32>
    %select_n3A_356 = arith.select %ge3A_355, %select_n3A_300, %broadcast_in_dim3A_159 : vector<128x1xi1>, vector<128x1xf32>
    %ge3A_357 = arith.constant 8.192000e+03 : f32
    %ge3A_358 = vector.broadcast %ge3A_357 : f32 to vector<128x1xf32>
    %ge3A_359 = arith.cmpf oge, %broadcast_in_dim3A_167, %ge3A_358 : vector<128x1xf32>
    %select_n3A_360 = arith.select %ge3A_359, %select_n3A_300, %broadcast_in_dim3A_167 : vector<128x1xi1>, vector<128x1xf32>
    %ge3A_361 = arith.constant 8.192000e+03 : f32
    %ge3A_362 = vector.broadcast %ge3A_361 : f32 to vector<128x1xf32>
    %ge3A_363 = arith.cmpf oge, %broadcast_in_dim3A_175, %ge3A_362 : vector<128x1xf32>
    %select_n3A_364 = arith.select %ge3A_363, %select_n3A_300, %broadcast_in_dim3A_175 : vector<128x1xi1>, vector<128x1xf32>
    %ge3A_365 = arith.constant 8.192000e+03 : f32
    %ge3A_366 = vector.broadcast %ge3A_365 : f32 to vector<128x1xf32>
    %ge3A_367 = arith.cmpf oge, %broadcast_in_dim3A_183, %ge3A_366 : vector<128x1xf32>
    %select_n3A_368 = arith.select %ge3A_367, %select_n3A_300, %broadcast_in_dim3A_183 : vector<128x1xi1>, vector<128x1xf32>
    %ge3A_369 = arith.constant 8.192000e+03 : f32
    %ge3A_370 = vector.broadcast %ge3A_369 : f32 to vector<128x1xf32>
    %ge3A_371 = arith.cmpf oge, %broadcast_in_dim3A_191, %ge3A_370 : vector<128x1xf32>
    %select_n3A_372 = arith.select %ge3A_371, %select_n3A_300, %broadcast_in_dim3A_191 : vector<128x1xi1>, vector<128x1xf32>
    %ge3A_373 = arith.constant 8.192000e+03 : f32
    %ge3A_374 = vector.broadcast %ge3A_373 : f32 to vector<128x1xf32>
    %ge3A_375 = arith.cmpf oge, %broadcast_in_dim3A_199, %ge3A_374 : vector<128x1xf32>
    %select_n3A_376 = arith.select %ge3A_375, %select_n3A_300, %broadcast_in_dim3A_199 : vector<128x1xi1>, vector<128x1xf32>
    %ge3A_377 = arith.constant 8.192000e+03 : f32
    %ge3A_378 = vector.broadcast %ge3A_377 : f32 to vector<128x1xf32>
    %ge3A_379 = arith.cmpf oge, %broadcast_in_dim3A_207, %ge3A_378 : vector<128x1xf32>
    %select_n3A_380 = arith.select %ge3A_379, %select_n3A_300, %broadcast_in_dim3A_207 : vector<128x1xi1>, vector<128x1xf32>
    %ge3A_381 = arith.constant 8.192000e+03 : f32
    %ge3A_382 = vector.broadcast %ge3A_381 : f32 to vector<128x1xf32>
    %ge3A_383 = arith.cmpf oge, %broadcast_in_dim3A_215, %ge3A_382 : vector<128x1xf32>
    %select_n3A_384 = arith.select %ge3A_383, %select_n3A_300, %broadcast_in_dim3A_215 : vector<128x1xi1>, vector<128x1xf32>
    %ge3A_385 = arith.constant 8.192000e+03 : f32
    %ge3A_386 = vector.broadcast %ge3A_385 : f32 to vector<128x1xf32>
    %ge3A_387 = arith.cmpf oge, %broadcast_in_dim3A_223, %ge3A_386 : vector<128x1xf32>
    %select_n3A_388 = arith.select %ge3A_387, %select_n3A_300, %broadcast_in_dim3A_223 : vector<128x1xi1>, vector<128x1xf32>
    %ge3A_389 = arith.constant 8.192000e+03 : f32
    %ge3A_390 = vector.broadcast %ge3A_389 : f32 to vector<128x1xf32>
    %ge3A_391 = arith.cmpf oge, %broadcast_in_dim3A_231, %ge3A_390 : vector<128x1xf32>
    %select_n3A_392 = arith.select %ge3A_391, %select_n3A_300, %broadcast_in_dim3A_231 : vector<128x1xi1>, vector<128x1xf32>
    %ge3A_393 = arith.constant 8.192000e+03 : f32
    %ge3A_394 = vector.broadcast %ge3A_393 : f32 to vector<128x1xf32>
    %ge3A_395 = arith.cmpf oge, %broadcast_in_dim3A_239, %ge3A_394 : vector<128x1xf32>
    %select_n3A_396 = arith.select %ge3A_395, %select_n3A_300, %broadcast_in_dim3A_239 : vector<128x1xi1>, vector<128x1xf32>
    %ge3A_397 = arith.constant 8.192000e+03 : f32
    %ge3A_398 = vector.broadcast %ge3A_397 : f32 to vector<128x1xf32>
    %ge3A_399 = arith.cmpf oge, %broadcast_in_dim3A_247, %ge3A_398 : vector<128x1xf32>
    %select_n3A_400 = arith.select %ge3A_399, %select_n3A_300, %broadcast_in_dim3A_247 : vector<128x1xi1>, vector<128x1xf32>
    %ge3A_401 = arith.constant 8.192000e+03 : f32
    %ge3A_402 = vector.broadcast %ge3A_401 : f32 to vector<128x1xf32>
    %ge3A_403 = arith.cmpf oge, %broadcast_in_dim3A_255, %ge3A_402 : vector<128x1xf32>
    %select_n3A_404 = arith.select %ge3A_403, %select_n3A_300, %broadcast_in_dim3A_255 : vector<128x1xi1>, vector<128x1xf32>
    %ge3A_405 = arith.constant 8.192000e+03 : f32
    %ge3A_406 = vector.broadcast %ge3A_405 : f32 to vector<128x1xf32>
    %ge3A_407 = arith.cmpf oge, %broadcast_in_dim3A_263, %ge3A_406 : vector<128x1xf32>
    %select_n3A_408 = arith.select %ge3A_407, %select_n3A_300, %broadcast_in_dim3A_263 : vector<128x1xi1>, vector<128x1xf32>
    %ge3A_409 = arith.constant 8.192000e+03 : f32
    %ge3A_410 = vector.broadcast %ge3A_409 : f32 to vector<128x1xf32>
    %ge3A_411 = arith.cmpf oge, %broadcast_in_dim3A_271, %ge3A_410 : vector<128x1xf32>
    %select_n3A_412 = arith.select %ge3A_411, %select_n3A_300, %broadcast_in_dim3A_271 : vector<128x1xi1>, vector<128x1xf32>
    %ge3A_413 = arith.constant 8.192000e+03 : f32
    %ge3A_414 = vector.broadcast %ge3A_413 : f32 to vector<128x1xf32>
    %ge3A_415 = arith.cmpf oge, %broadcast_in_dim3A_279, %ge3A_414 : vector<128x1xf32>
    %select_n3A_416 = arith.select %ge3A_415, %select_n3A_300, %broadcast_in_dim3A_279 : vector<128x1xi1>, vector<128x1xf32>
    %ge3A_417 = arith.constant 8.192000e+03 : f32
    %ge3A_418 = vector.broadcast %ge3A_417 : f32 to vector<128x1xf32>
    %ge3A_419 = arith.cmpf oge, %broadcast_in_dim3A_287, %ge3A_418 : vector<128x1xf32>
    %select_n3A_420 = arith.select %ge3A_419, %select_n3A_300, %broadcast_in_dim3A_287 : vector<128x1xi1>, vector<128x1xf32>
    %ge3A_421 = arith.constant 8.192000e+03 : f32
    %ge3A_422 = vector.broadcast %ge3A_421 : f32 to vector<128x1xf32>
    %ge3A_423 = arith.cmpf oge, %broadcast_in_dim3A_295, %ge3A_422 : vector<128x1xf32>
    %select_n3A_424 = arith.select %ge3A_423, %select_n3A_300, %broadcast_in_dim3A_295 : vector<128x1xi1>, vector<128x1xf32>
    %concatenate3A_425 = tpu.concatenate %select_n3A_300, %select_n3A_304, %select_n3A_308, %select_n3A_312, %select_n3A_316, %select_n3A_320, %select_n3A_324, %select_n3A_328, %select_n3A_332, %select_n3A_336, %select_n3A_340, %select_n3A_344, %select_n3A_348, %select_n3A_352, %select_n3A_356, %select_n3A_360, %select_n3A_364, %select_n3A_368, %select_n3A_372, %select_n3A_376, %select_n3A_380, %select_n3A_384, %select_n3A_388, %select_n3A_392, %select_n3A_396, %select_n3A_400, %select_n3A_404, %select_n3A_408, %select_n3A_412, %select_n3A_416, %select_n3A_420, %select_n3A_424 in 1 : vector<128x1xf32>, vector<128x1xf32>, vector<128x1xf32>, vector<128x1xf32>, vector<128x1xf32>, vector<128x1xf32>, vector<128x1xf32>, vector<128x1xf32>, vector<128x1xf32>, vector<128x1xf32>, vector<128x1xf32>, vector<128x1xf32>, vector<128x1xf32>, vector<128x1xf32>, vector<128x1xf32>, vector<128x1xf32>, vector<128x1xf32>, vector<128x1xf32>, vector<128x1xf32>, vector<128x1xf32>, vector<128x1xf32>, vector<128x1xf32>, vector<128x1xf32>, vector<128x1xf32>, vector<128x1xf32>, vector<128x1xf32>, vector<128x1xf32>, vector<128x1xf32>, vector<128x1xf32>, vector<128x1xf32>, vector<128x1xf32>, vector<128x1xf32> -> vector<128x32xf32>
    %convert_element_type3A_426 = arith.fptosi %concatenate3A_425 : vector<128x32xf32> to vector<128x32xi32>
    %mul3A_427 = arith.constant 8192 : i32
    %mul3A_428 = arith.muli %arg0, %mul3A_427 : i32
    %add3A_429 = vector.broadcast %mul3A_428 : i32 to vector<128x32xi32>
    %add3A_430 = arith.addi %convert_element_type3A_426, %add3A_429 : vector<128x32xi32>
    %swap3A = arith.constant 0 : index
    %swap3A_431 = arith.constant 0 : index
    %swap3A_432 = arith.constant 0 : index
    %swap3A_433 = vector.load %arg8[%swap3A, %swap3A_431, %swap3A_432] : memref<1x128x32xi32, #tpu.memory_space<vmem>>, vector<1x128x32xi32>
    %swap3A_434 = vector.shape_cast %swap3A_433 : vector<1x128x32xi32> to vector<128x32xi32>
    %swap3A_435 = vector.shape_cast %add3A_430 : vector<128x32xi32> to vector<1x128x32xi32>
    tpu.vector_store %arg8[%swap3A, %swap3A_431, %swap3A_432], %swap3A_435 {strides = array<i32>} : memref<1x128x32xi32, #tpu.memory_space<vmem>>, vector<1x128x32xi32>,
    return
  }
  func.func @transform_0(%arg0: i32, %arg1: i32) -> (i32, i32, i32) {
    %c0_i32 = arith.constant 0 : i32
    %c0_i32_0 = arith.constant 0 : i32
    %c0_i32_1 = arith.constant 0 : i32
    return %arg0, %c0_i32, %c0_i32_0 : i32, i32, i32
  }
  func.func @transform_1(%arg0: i32, %arg1: i32) -> (i32, i32, i32) {
    %c0_i32 = arith.constant 0 : i32
    %c0_i32_0 = arith.constant 0 : i32
    %c0_i32_1 = arith.constant 0 : i32
    return %arg0, %c0_i32, %c0_i32_0 : i32, i32, i32
  }
  func.func @transform_2(%arg0: i32, %arg1: i32) -> (i32, i32, i32) {
    %c0_i32 = arith.constant 0 : i32
    %c0_i32_0 = arith.constant 0 : i32
    %c0_i32_1 = arith.constant 0 : i32
    return %arg0, %c0_i32, %c0_i32_0 : i32, i32, i32
  }
  func.func @transform_3(%arg0: i32, %arg1: i32) -> (i32, i32, i32) {
    %c0_i32 = arith.constant 0 : i32
    %c0_i32_0 = arith.constant 0 : i32
    return %arg0, %arg1, %c0_i32 : i32, i32, i32
  }
  func.func @transform_4(%arg0: i32, %arg1: i32) -> (i32, i32, i32) {
    %c0_i32 = arith.constant 0 : i32
    %c0_i32_0 = arith.constant 0 : i32
    return %arg0, %arg1, %c0_i32 : i32, i32, i32
  }
  func.func @transform_5(%arg0: i32, %arg1: i32) -> (i32, i32, i32) {
    %c0_i32 = arith.constant 0 : i32
    %c0_i32_0 = arith.constant 0 : i32
    return %arg0, %arg1, %c0_i32 : i32, i32, i32
  }
  func.func @transform_6(%arg0: i32, %arg1: i32) -> (i32, i32, i32) {
    %c0_i32 = arith.constant 0 : i32
    %c0_i32_0 = arith.constant 0 : i32
    return %arg0, %arg1, %c0_i32 : i32, i32, i32
  }
}

module attributes {stable_mosaic.version = 14 : i64} {
  func.func @_fps_body(%arg0: i32, %arg1: memref<16x1024xf32, #tpu.memory_space<vmem>>, %arg2: memref<16x1024xf32, #tpu.memory_space<vmem>>, %arg3: memref<16x1024xf32, #tpu.memory_space<vmem>>, %arg4: memref<2x3x1024xf32, #tpu.memory_space<vmem>>) attributes {dimension_semantics = [#tpu.dimension_semantics<arbitrary>], iteration_bounds = array<i64: 1>, scalar_prefetch = 0 : i64, scratch_operands = 0 : i64, tpu.core_type = #tpu.core_type<tc>, window_params = [{pipeline_mode = #tpu.pipeline_mode<synchronous>, transform_indices = @transform_0, window_bounds = array<i64: 16, 1024>}, {pipeline_mode = #tpu.pipeline_mode<synchronous>, transform_indices = @transform_1, window_bounds = array<i64: 16, 1024>}, {pipeline_mode = #tpu.pipeline_mode<synchronous>, transform_indices = @transform_2, window_bounds = array<i64: 16, 1024>}, {pipeline_mode = #tpu.pipeline_mode<synchronous>, transform_indices = @transform_3, window_bounds = array<i64: 2, 3, 1024>}]} {
    %get3A = arith.constant 0 : index
    %get3A_0 = arith.constant 0 : index
    %get3A_1 = vector.load %arg1[%get3A, %get3A_0] : memref<16x1024xf32, #tpu.memory_space<vmem>>, vector<16x1024xf32>
    %get3A_2 = arith.constant 0 : index
    %get3A_3 = arith.constant 0 : index
    %get3A_4 = vector.load %arg2[%get3A_2, %get3A_3] : memref<16x1024xf32, #tpu.memory_space<vmem>>, vector<16x1024xf32>
    %get3A_5 = arith.constant 0 : index
    %get3A_6 = arith.constant 0 : index
    %get3A_7 = vector.load %arg3[%get3A_5, %get3A_6] : memref<16x1024xf32, #tpu.memory_space<vmem>>, vector<16x1024xf32>
    %iota3A = tpu.iota {dimensions = array<i32: 0>} : vector<16x1024xi32>
    %iota3A_8 = tpu.iota {dimensions = array<i32: 1>} : vector<16x1024xi32>
    %lt3A = arith.constant 8 : i32
    %lt3A_9 = vector.broadcast %lt3A : i32 to vector<16x1024xi32>
    %lt3A_10 = arith.cmpi slt, %iota3A, %lt3A_9 : vector<16x1024xi32>
    %sub3A = arith.constant 8 : i32
    %sub3A_11 = vector.broadcast %sub3A : i32 to vector<16x1024xi32>
    %sub3A_12 = arith.subi %iota3A, %sub3A_11 : vector<16x1024xi32>
    %select_n3A = arith.select %lt3A_10, %iota3A, %sub3A_12 : vector<16x1024xi1>, vector<16x1024xi32>
    %mul3A = arith.constant 1024 : i32
    %mul3A_13 = vector.broadcast %mul3A : i32 to vector<16x1024xi32>
    %mul3A_14 = arith.muli %select_n3A, %mul3A_13 : vector<16x1024xi32>
    %add3A = arith.addi %mul3A_14, %iota3A_8 : vector<16x1024xi32>
    %iota3A_15 = tpu.iota {dimensions = array<i32: 1>} : vector<1x1024xi32>
    %iota3A_16 = tpu.iota {dimensions = array<i32: 0>} : vector<2x1xi32>
    %eq3A = arith.constant 0 : i32
    %eq3A_17 = vector.broadcast %eq3A : i32 to vector<16x1024xi32>
    %eq3A_18 = arith.cmpi eq, %add3A, %eq3A_17 : vector<16x1024xi32>
    %jit3A = arith.constant 0.000000e+00 : f32
    %broadcast_in_dim3A = vector.broadcast %jit3A : f32 to vector<16x1024xf32>
    %select_n3A_19 = arith.select %eq3A_18, %get3A_1, %broadcast_in_dim3A : vector<16x1024xi1>, vector<16x1024xf32>
    %slice3A = vector.extract_strided_slice %select_n3A_19 {offsets = [0, 0], sizes = [8, 1024], strides = [1, 1]} : vector<16x1024xf32> to vector<8x1024xf32>
    %reduce_sum3A = vector.shape_cast %slice3A : vector<8x1024xf32> to vector<1x8x1024xf32>
    %reduce_sum3A_20 = arith.constant dense<0.000000e+00> : vector<1xf32>
    %reduce_sum3A_21 = vector.multi_reduction <add>, %reduce_sum3A, %reduce_sum3A_20 [1, 2] : vector<1x8x1024xf32> to vector<1xf32>
    %reduce_sum3A_22 = vector.shape_cast %reduce_sum3A_21 : vector<1xf32> to vector<1x1x1xf32>
    %reduce_sum3A_23 = vector.extract %reduce_sum3A_22[0, 0, 0] : f32 from vector<1x1x1xf32>
    %slice3A_24 = vector.extract_strided_slice %select_n3A_19 {offsets = [8, 0], sizes = [8, 1024], strides = [1, 1]} : vector<16x1024xf32> to vector<8x1024xf32>
    %reduce_sum3A_25 = vector.shape_cast %slice3A_24 : vector<8x1024xf32> to vector<1x8x1024xf32>
    %reduce_sum3A_26 = arith.constant dense<0.000000e+00> : vector<1xf32>
    %reduce_sum3A_27 = vector.multi_reduction <add>, %reduce_sum3A_25, %reduce_sum3A_26 [1, 2] : vector<1x8x1024xf32> to vector<1xf32>
    %reduce_sum3A_28 = vector.shape_cast %reduce_sum3A_27 : vector<1xf32> to vector<1x1x1xf32>
    %reduce_sum3A_29 = vector.extract %reduce_sum3A_28[0, 0, 0] : f32 from vector<1x1x1xf32>
    %jit3A_30 = arith.constant 0.000000e+00 : f32
    %broadcast_in_dim3A_31 = vector.broadcast %jit3A_30 : f32 to vector<16x1024xf32>
    %select_n3A_32 = arith.select %eq3A_18, %get3A_4, %broadcast_in_dim3A_31 : vector<16x1024xi1>, vector<16x1024xf32>
    %slice3A_33 = vector.extract_strided_slice %select_n3A_32 {offsets = [0, 0], sizes = [8, 1024], strides = [1, 1]} : vector<16x1024xf32> to vector<8x1024xf32>
    %reduce_sum3A_34 = vector.shape_cast %slice3A_33 : vector<8x1024xf32> to vector<1x8x1024xf32>
    %reduce_sum3A_35 = arith.constant dense<0.000000e+00> : vector<1xf32>
    %reduce_sum3A_36 = vector.multi_reduction <add>, %reduce_sum3A_34, %reduce_sum3A_35 [1, 2] : vector<1x8x1024xf32> to vector<1xf32>
    %reduce_sum3A_37 = vector.shape_cast %reduce_sum3A_36 : vector<1xf32> to vector<1x1x1xf32>
    %reduce_sum3A_38 = vector.extract %reduce_sum3A_37[0, 0, 0] : f32 from vector<1x1x1xf32>
    %slice3A_39 = vector.extract_strided_slice %select_n3A_32 {offsets = [8, 0], sizes = [8, 1024], strides = [1, 1]} : vector<16x1024xf32> to vector<8x1024xf32>
    %reduce_sum3A_40 = vector.shape_cast %slice3A_39 : vector<8x1024xf32> to vector<1x8x1024xf32>
    %reduce_sum3A_41 = arith.constant dense<0.000000e+00> : vector<1xf32>
    %reduce_sum3A_42 = vector.multi_reduction <add>, %reduce_sum3A_40, %reduce_sum3A_41 [1, 2] : vector<1x8x1024xf32> to vector<1xf32>
    %reduce_sum3A_43 = vector.shape_cast %reduce_sum3A_42 : vector<1xf32> to vector<1x1x1xf32>
    %reduce_sum3A_44 = vector.extract %reduce_sum3A_43[0, 0, 0] : f32 from vector<1x1x1xf32>
    %jit3A_45 = arith.constant 0.000000e+00 : f32
    %broadcast_in_dim3A_46 = vector.broadcast %jit3A_45 : f32 to vector<16x1024xf32>
    %select_n3A_47 = arith.select %eq3A_18, %get3A_7, %broadcast_in_dim3A_46 : vector<16x1024xi1>, vector<16x1024xf32>
    %slice3A_48 = vector.extract_strided_slice %select_n3A_47 {offsets = [0, 0], sizes = [8, 1024], strides = [1, 1]} : vector<16x1024xf32> to vector<8x1024xf32>
    %reduce_sum3A_49 = vector.shape_cast %slice3A_48 : vector<8x1024xf32> to vector<1x8x1024xf32>
    %reduce_sum3A_50 = arith.constant dense<0.000000e+00> : vector<1xf32>
    %reduce_sum3A_51 = vector.multi_reduction <add>, %reduce_sum3A_49, %reduce_sum3A_50 [1, 2] : vector<1x8x1024xf32> to vector<1xf32>
    %reduce_sum3A_52 = vector.shape_cast %reduce_sum3A_51 : vector<1xf32> to vector<1x1x1xf32>
    %reduce_sum3A_53 = vector.extract %reduce_sum3A_52[0, 0, 0] : f32 from vector<1x1x1xf32>
    %slice3A_54 = vector.extract_strided_slice %select_n3A_47 {offsets = [8, 0], sizes = [8, 1024], strides = [1, 1]} : vector<16x1024xf32> to vector<8x1024xf32>
    %reduce_sum3A_55 = vector.shape_cast %slice3A_54 : vector<8x1024xf32> to vector<1x8x1024xf32>
    %reduce_sum3A_56 = arith.constant dense<0.000000e+00> : vector<1xf32>
    %reduce_sum3A_57 = vector.multi_reduction <add>, %reduce_sum3A_55, %reduce_sum3A_56 [1, 2] : vector<1x8x1024xf32> to vector<1xf32>
    %reduce_sum3A_58 = vector.shape_cast %reduce_sum3A_57 : vector<1xf32> to vector<1x1x1xf32>
    %reduce_sum3A_59 = vector.extract %reduce_sum3A_58[0, 0, 0] : f32 from vector<1x1x1xf32>
    %broadcast_in_dim3A_60 = vector.broadcast %reduce_sum3A_23 : f32 to vector<16x1024xf32>
    %broadcast_in_dim3A_61 = vector.broadcast %reduce_sum3A_29 : f32 to vector<16x1024xf32>
    %select_n3A_62 = arith.select %lt3A_10, %broadcast_in_dim3A_60, %broadcast_in_dim3A_61 : vector<16x1024xi1>, vector<16x1024xf32>
    %broadcast_in_dim3A_63 = vector.broadcast %reduce_sum3A_38 : f32 to vector<16x1024xf32>
    %broadcast_in_dim3A_64 = vector.broadcast %reduce_sum3A_44 : f32 to vector<16x1024xf32>
    %select_n3A_65 = arith.select %lt3A_10, %broadcast_in_dim3A_63, %broadcast_in_dim3A_64 : vector<16x1024xi1>, vector<16x1024xf32>
    %broadcast_in_dim3A_66 = vector.broadcast %reduce_sum3A_53 : f32 to vector<16x1024xf32>
    %broadcast_in_dim3A_67 = vector.broadcast %reduce_sum3A_59 : f32 to vector<16x1024xf32>
    %select_n3A_68 = arith.select %lt3A_10, %broadcast_in_dim3A_66, %broadcast_in_dim3A_67 : vector<16x1024xi1>, vector<16x1024xf32>
    %sub3A_69 = arith.subf %get3A_1, %select_n3A_62 : vector<16x1024xf32>
    %integer_pow3A = arith.mulf %sub3A_69, %sub3A_69 : vector<16x1024xf32>
    %sub3A_70 = arith.subf %get3A_4, %select_n3A_65 : vector<16x1024xf32>
    %integer_pow3A_71 = arith.mulf %sub3A_70, %sub3A_70 : vector<16x1024xf32>
    %add3A_72 = arith.addf %integer_pow3A, %integer_pow3A_71 : vector<16x1024xf32>
    %sub3A_73 = arith.subf %get3A_7, %select_n3A_68 : vector<16x1024xf32>
    %integer_pow3A_74 = arith.mulf %sub3A_73, %sub3A_73 : vector<16x1024xf32>
    %add3A_75 = arith.addf %add3A_72, %integer_pow3A_74 : vector<16x1024xf32>
    %broadcast_in_dim3A_76 = arith.constant 0.000000e+00 : f32
    %broadcast_in_dim3A_77 = vector.broadcast %broadcast_in_dim3A_76 : f32 to vector<2x1024xf32>
    %eq3A_78 = arith.constant 0 : i32
    %eq3A_79 = vector.broadcast %eq3A_78 : i32 to vector<1x1024xi32>
    %eq3A_80 = arith.cmpi eq, %iota3A_15, %eq3A_79 : vector<1x1024xi32>
    %eq3A_81 = arith.constant 0 : i32
    %eq3A_82 = vector.broadcast %eq3A_81 : i32 to vector<2x1xi32>
    %eq3A_83 = arith.cmpi eq, %iota3A_16, %eq3A_82 : vector<2x1xi32>
    %broadcast_in_dim3A_84 = vector.broadcast %reduce_sum3A_23 : f32 to vector<2x1xf32>
    %broadcast_in_dim3A_85 = vector.broadcast %reduce_sum3A_29 : f32 to vector<2x1xf32>
    %select_n3A_86 = arith.select %eq3A_83, %broadcast_in_dim3A_84, %broadcast_in_dim3A_85 : vector<2x1xi1>, vector<2x1xf32>
    %jit3A_87 = arith.constant 0.000000e+00 : f32
    %broadcast_in_dim3A_88 = vector.shape_cast %eq3A_80 : vector<1x1024xi1> to vector<1x1024xi1>
    %broadcast_in_dim3A_89 = vector.broadcast %broadcast_in_dim3A_88 : vector<1x1024xi1> to vector<2x1024xi1>
    %broadcast_in_dim3A_90 = vector.shape_cast %select_n3A_86 : vector<2x1xf32> to vector<2x1xf32>
    %broadcast_in_dim3A_91 = vector.broadcast %broadcast_in_dim3A_90 : vector<2x1xf32> to vector<2x1024xf32>
    %broadcast_in_dim3A_92 = vector.broadcast %jit3A_87 : f32 to vector<2x1024xf32>
    %select_n3A_93 = arith.select %broadcast_in_dim3A_89, %broadcast_in_dim3A_91, %broadcast_in_dim3A_92 : vector<2x1024xi1>, vector<2x1024xf32>
    %add3A_94 = arith.addf %broadcast_in_dim3A_77, %select_n3A_93 : vector<2x1024xf32>
    %eq3A_95 = arith.constant 0 : i32
    %eq3A_96 = vector.broadcast %eq3A_95 : i32 to vector<2x1xi32>
    %eq3A_97 = arith.cmpi eq, %iota3A_16, %eq3A_96 : vector<2x1xi32>
    %broadcast_in_dim3A_98 = vector.broadcast %reduce_sum3A_38 : f32 to vector<2x1xf32>
    %broadcast_in_dim3A_99 = vector.broadcast %reduce_sum3A_44 : f32 to vector<2x1xf32>
    %select_n3A_100 = arith.select %eq3A_97, %broadcast_in_dim3A_98, %broadcast_in_dim3A_99 : vector<2x1xi1>, vector<2x1xf32>
    %jit3A_101 = arith.constant 0.000000e+00 : f32
    %broadcast_in_dim3A_102 = vector.shape_cast %eq3A_80 : vector<1x1024xi1> to vector<1x1024xi1>
    %broadcast_in_dim3A_103 = vector.broadcast %broadcast_in_dim3A_102 : vector<1x1024xi1> to vector<2x1024xi1>
    %broadcast_in_dim3A_104 = vector.shape_cast %select_n3A_100 : vector<2x1xf32> to vector<2x1xf32>
    %broadcast_in_dim3A_105 = vector.broadcast %broadcast_in_dim3A_104 : vector<2x1xf32> to vector<2x1024xf32>
    %broadcast_in_dim3A_106 = vector.broadcast %jit3A_101 : f32 to vector<2x1024xf32>
    %select_n3A_107 = arith.select %broadcast_in_dim3A_103, %broadcast_in_dim3A_105, %broadcast_in_dim3A_106 : vector<2x1024xi1>, vector<2x1024xf32>
    %add3A_108 = arith.addf %broadcast_in_dim3A_77, %select_n3A_107 : vector<2x1024xf32>
    %eq3A_109 = arith.constant 0 : i32
    %eq3A_110 = vector.broadcast %eq3A_109 : i32 to vector<2x1xi32>
    %eq3A_111 = arith.cmpi eq, %iota3A_16, %eq3A_110 : vector<2x1xi32>
    %broadcast_in_dim3A_112 = vector.broadcast %reduce_sum3A_53 : f32 to vector<2x1xf32>
    %broadcast_in_dim3A_113 = vector.broadcast %reduce_sum3A_59 : f32 to vector<2x1xf32>
    %select_n3A_114 = arith.select %eq3A_111, %broadcast_in_dim3A_112, %broadcast_in_dim3A_113 : vector<2x1xi1>, vector<2x1xf32>
    %jit3A_115 = arith.constant 0.000000e+00 : f32
    %broadcast_in_dim3A_116 = vector.shape_cast %eq3A_80 : vector<1x1024xi1> to vector<1x1024xi1>
    %broadcast_in_dim3A_117 = vector.broadcast %broadcast_in_dim3A_116 : vector<1x1024xi1> to vector<2x1024xi1>
    %broadcast_in_dim3A_118 = vector.shape_cast %select_n3A_114 : vector<2x1xf32> to vector<2x1xf32>
    %broadcast_in_dim3A_119 = vector.broadcast %broadcast_in_dim3A_118 : vector<2x1xf32> to vector<2x1024xf32>
    %broadcast_in_dim3A_120 = vector.broadcast %jit3A_115 : f32 to vector<2x1024xf32>
    %select_n3A_121 = arith.select %broadcast_in_dim3A_117, %broadcast_in_dim3A_119, %broadcast_in_dim3A_120 : vector<2x1024xi1>, vector<2x1024xf32>
    %add3A_122 = arith.addf %broadcast_in_dim3A_77, %select_n3A_121 : vector<2x1024xf32>
    %scan3A = arith.constant 1 : i32
    %scan3A_123 = arith.constant 1023 : i32
    %scan3A_124 = arith.addi %scan3A, %scan3A_123 : i32
    %scan3A_125 = arith.constant 3 : i32
    %scan3A_126:4 = scf.for %scan3A_145 = %scan3A to %scan3A_124 step %scan3A_125 iter_args(%scan3A_146 = %add3A_75, %scan3A_147 = %add3A_94, %scan3A_148 = %add3A_108, %scan3A_149 = %add3A_122) -> (vector<16x1024xf32>, vector<2x1024xf32>, vector<2x1024xf32>, vector<2x1024xf32>)  : i32 {
      %slice3A_150 = vector.extract_strided_slice %scan3A_146 {offsets = [0, 0], sizes = [8, 1024], strides = [1, 1]} : vector<16x1024xf32> to vector<8x1024xf32>
      %reduce_max3A = vector.shape_cast %slice3A_150 : vector<8x1024xf32> to vector<1x8x1024xf32>
      %reduce_max3A_151 = arith.constant dense<0xFF800000> : vector<1xf32>
      %reduce_max3A_152 = vector.multi_reduction <maximumf>, %reduce_max3A, %reduce_max3A_151 [1, 2] : vector<1x8x1024xf32> to vector<1xf32>
      %reduce_max3A_153 = vector.shape_cast %reduce_max3A_152 : vector<1xf32> to vector<1x1x1xf32>
      %reduce_max3A_154 = vector.extract %reduce_max3A_153[0, 0, 0] : f32 from vector<1x1x1xf32>
      %slice3A_155 = vector.extract_strided_slice %scan3A_146 {offsets = [8, 0], sizes = [8, 1024], strides = [1, 1]} : vector<16x1024xf32> to vector<8x1024xf32>
      %reduce_max3A_156 = vector.shape_cast %slice3A_155 : vector<8x1024xf32> to vector<1x8x1024xf32>
      %reduce_max3A_157 = arith.constant dense<0xFF800000> : vector<1xf32>
      %reduce_max3A_158 = vector.multi_reduction <maximumf>, %reduce_max3A_156, %reduce_max3A_157 [1, 2] : vector<1x8x1024xf32> to vector<1xf32>
      %reduce_max3A_159 = vector.shape_cast %reduce_max3A_158 : vector<1xf32> to vector<1x1x1xf32>
      %reduce_max3A_160 = vector.extract %reduce_max3A_159[0, 0, 0] : f32 from vector<1x1x1xf32>
      %broadcast_in_dim3A_161 = vector.broadcast %reduce_max3A_154 : f32 to vector<16x1024xf32>
      %broadcast_in_dim3A_162 = vector.broadcast %reduce_max3A_160 : f32 to vector<16x1024xf32>
      %select_n3A_163 = arith.select %lt3A_10, %broadcast_in_dim3A_161, %broadcast_in_dim3A_162 : vector<16x1024xi1>, vector<16x1024xf32>
      %eq3A_164 = arith.cmpf oeq, %scan3A_146, %select_n3A_163 : vector<16x1024xf32>
      %jit3A_165 = arith.constant 8192 : i32
      %broadcast_in_dim3A_166 = vector.broadcast %jit3A_165 : i32 to vector<16x1024xi32>
      %select_n3A_167 = arith.select %eq3A_164, %add3A, %broadcast_in_dim3A_166 : vector<16x1024xi1>, vector<16x1024xi32>
      %slice3A_168 = vector.extract_strided_slice %select_n3A_167 {offsets = [0, 0], sizes = [8, 1024], strides = [1, 1]} : vector<16x1024xi32> to vector<8x1024xi32>
      %reduce_min3A = vector.shape_cast %slice3A_168 : vector<8x1024xi32> to vector<1x8x1024xi32>
      %reduce_min3A_169 = arith.constant dense<2147483647> : vector<1xi32>
      %reduce_min3A_170 = vector.multi_reduction <minsi>, %reduce_min3A, %reduce_min3A_169 [1, 2] : vector<1x8x1024xi32> to vector<1xi32>
      %reduce_min3A_171 = vector.shape_cast %reduce_min3A_170 : vector<1xi32> to vector<1x1x1xi32>
      %reduce_min3A_172 = vector.extract %reduce_min3A_171[0, 0, 0] : i32 from vector<1x1x1xi32>
      %slice3A_173 = vector.extract_strided_slice %select_n3A_167 {offsets = [8, 0], sizes = [8, 1024], strides = [1, 1]} : vector<16x1024xi32> to vector<8x1024xi32>
      %reduce_min3A_174 = vector.shape_cast %slice3A_173 : vector<8x1024xi32> to vector<1x8x1024xi32>
      %reduce_min3A_175 = arith.constant dense<2147483647> : vector<1xi32>
      %reduce_min3A_176 = vector.multi_reduction <minsi>, %reduce_min3A_174, %reduce_min3A_175 [1, 2] : vector<1x8x1024xi32> to vector<1xi32>
      %reduce_min3A_177 = vector.shape_cast %reduce_min3A_176 : vector<1xi32> to vector<1x1x1xi32>
      %reduce_min3A_178 = vector.extract %reduce_min3A_177[0, 0, 0] : i32 from vector<1x1x1xi32>
      %broadcast_in_dim3A_179 = vector.broadcast %reduce_min3A_172 : i32 to vector<16x1024xi32>
      %broadcast_in_dim3A_180 = vector.broadcast %reduce_min3A_178 : i32 to vector<16x1024xi32>
      %select_n3A_181 = arith.select %lt3A_10, %broadcast_in_dim3A_179, %broadcast_in_dim3A_180 : vector<16x1024xi1>, vector<16x1024xi32>
      %eq3A_182 = arith.cmpi eq, %add3A, %select_n3A_181 : vector<16x1024xi32>
      %jit3A_183 = arith.constant 0.000000e+00 : f32
      %broadcast_in_dim3A_184 = vector.broadcast %jit3A_183 : f32 to vector<16x1024xf32>
      %select_n3A_185 = arith.select %eq3A_182, %get3A_1, %broadcast_in_dim3A_184 : vector<16x1024xi1>, vector<16x1024xf32>
      %slice3A_186 = vector.extract_strided_slice %select_n3A_185 {offsets = [0, 0], sizes = [8, 1024], strides = [1, 1]} : vector<16x1024xf32> to vector<8x1024xf32>
      %reduce_sum3A_187 = vector.shape_cast %slice3A_186 : vector<8x1024xf32> to vector<1x8x1024xf32>
      %reduce_sum3A_188 = arith.constant dense<0.000000e+00> : vector<1xf32>
      %reduce_sum3A_189 = vector.multi_reduction <add>, %reduce_sum3A_187, %reduce_sum3A_188 [1, 2] : vector<1x8x1024xf32> to vector<1xf32>
      %reduce_sum3A_190 = vector.shape_cast %reduce_sum3A_189 : vector<1xf32> to vector<1x1x1xf32>
      %reduce_sum3A_191 = vector.extract %reduce_sum3A_190[0, 0, 0] : f32 from vector<1x1x1xf32>
      %slice3A_192 = vector.extract_strided_slice %select_n3A_185 {offsets = [8, 0], sizes = [8, 1024], strides = [1, 1]} : vector<16x1024xf32> to vector<8x1024xf32>
      %reduce_sum3A_193 = vector.shape_cast %slice3A_192 : vector<8x1024xf32> to vector<1x8x1024xf32>
      %reduce_sum3A_194 = arith.constant dense<0.000000e+00> : vector<1xf32>
      %reduce_sum3A_195 = vector.multi_reduction <add>, %reduce_sum3A_193, %reduce_sum3A_194 [1, 2] : vector<1x8x1024xf32> to vector<1xf32>
      %reduce_sum3A_196 = vector.shape_cast %reduce_sum3A_195 : vector<1xf32> to vector<1x1x1xf32>
      %reduce_sum3A_197 = vector.extract %reduce_sum3A_196[0, 0, 0] : f32 from vector<1x1x1xf32>
      %jit3A_198 = arith.constant 0.000000e+00 : f32
      %broadcast_in_dim3A_199 = vector.broadcast %jit3A_198 : f32 to vector<16x1024xf32>
      %select_n3A_200 = arith.select %eq3A_182, %get3A_4, %broadcast_in_dim3A_199 : vector<16x1024xi1>, vector<16x1024xf32>
      %slice3A_201 = vector.extract_strided_slice %select_n3A_200 {offsets = [0, 0], sizes = [8, 1024], strides = [1, 1]} : vector<16x1024xf32> to vector<8x1024xf32>
      %reduce_sum3A_202 = vector.shape_cast %slice3A_201 : vector<8x1024xf32> to vector<1x8x1024xf32>
      %reduce_sum3A_203 = arith.constant dense<0.000000e+00> : vector<1xf32>
      %reduce_sum3A_204 = vector.multi_reduction <add>, %reduce_sum3A_202, %reduce_sum3A_203 [1, 2] : vector<1x8x1024xf32> to vector<1xf32>
      %reduce_sum3A_205 = vector.shape_cast %reduce_sum3A_204 : vector<1xf32> to vector<1x1x1xf32>
      %reduce_sum3A_206 = vector.extract %reduce_sum3A_205[0, 0, 0] : f32 from vector<1x1x1xf32>
      %slice3A_207 = vector.extract_strided_slice %select_n3A_200 {offsets = [8, 0], sizes = [8, 1024], strides = [1, 1]} : vector<16x1024xf32> to vector<8x1024xf32>
      %reduce_sum3A_208 = vector.shape_cast %slice3A_207 : vector<8x1024xf32> to vector<1x8x1024xf32>
      %reduce_sum3A_209 = arith.constant dense<0.000000e+00> : vector<1xf32>
      %reduce_sum3A_210 = vector.multi_reduction <add>, %reduce_sum3A_208, %reduce_sum3A_209 [1, 2] : vector<1x8x1024xf32> to vector<1xf32>
      %reduce_sum3A_211 = vector.shape_cast %reduce_sum3A_210 : vector<1xf32> to vector<1x1x1xf32>
      %reduce_sum3A_212 = vector.extract %reduce_sum3A_211[0, 0, 0] : f32 from vector<1x1x1xf32>
      %jit3A_213 = arith.constant 0.000000e+00 : f32
      %broadcast_in_dim3A_214 = vector.broadcast %jit3A_213 : f32 to vector<16x1024xf32>
      %select_n3A_215 = arith.select %eq3A_182, %get3A_7, %broadcast_in_dim3A_214 : vector<16x1024xi1>, vector<16x1024xf32>
      %slice3A_216 = vector.extract_strided_slice %select_n3A_215 {offsets = [0, 0], sizes = [8, 1024], strides = [1, 1]} : vector<16x1024xf32> to vector<8x1024xf32>
      %reduce_sum3A_217 = vector.shape_cast %slice3A_216 : vector<8x1024xf32> to vector<1x8x1024xf32>
      %reduce_sum3A_218 = arith.constant dense<0.000000e+00> : vector<1xf32>
      %reduce_sum3A_219 = vector.multi_reduction <add>, %reduce_sum3A_217, %reduce_sum3A_218 [1, 2] : vector<1x8x1024xf32> to vector<1xf32>
      %reduce_sum3A_220 = vector.shape_cast %reduce_sum3A_219 : vector<1xf32> to vector<1x1x1xf32>
      %reduce_sum3A_221 = vector.extract %reduce_sum3A_220[0, 0, 0] : f32 from vector<1x1x1xf32>
      %slice3A_222 = vector.extract_strided_slice %select_n3A_215 {offsets = [8, 0], sizes = [8, 1024], strides = [1, 1]} : vector<16x1024xf32> to vector<8x1024xf32>
      %reduce_sum3A_223 = vector.shape_cast %slice3A_222 : vector<8x1024xf32> to vector<1x8x1024xf32>
      %reduce_sum3A_224 = arith.constant dense<0.000000e+00> : vector<1xf32>
      %reduce_sum3A_225 = vector.multi_reduction <add>, %reduce_sum3A_223, %reduce_sum3A_224 [1, 2] : vector<1x8x1024xf32> to vector<1xf32>
      %reduce_sum3A_226 = vector.shape_cast %reduce_sum3A_225 : vector<1xf32> to vector<1x1x1xf32>
      %reduce_sum3A_227 = vector.extract %reduce_sum3A_226[0, 0, 0] : f32 from vector<1x1x1xf32>
      %eq3A_228 = vector.broadcast %scan3A_145 : i32 to vector<1x1024xi32>
      %eq3A_229 = arith.cmpi eq, %iota3A_15, %eq3A_228 : vector<1x1024xi32>
      %eq3A_230 = arith.constant 0 : i32
      %eq3A_231 = vector.broadcast %eq3A_230 : i32 to vector<2x1xi32>
      %eq3A_232 = arith.cmpi eq, %iota3A_16, %eq3A_231 : vector<2x1xi32>
      %broadcast_in_dim3A_233 = vector.broadcast %reduce_sum3A_191 : f32 to vector<2x1xf32>
      %broadcast_in_dim3A_234 = vector.broadcast %reduce_sum3A_197 : f32 to vector<2x1xf32>
      %select_n3A_235 = arith.select %eq3A_232, %broadcast_in_dim3A_233, %broadcast_in_dim3A_234 : vector<2x1xi1>, vector<2x1xf32>
      %jit3A_236 = arith.constant 0.000000e+00 : f32
      %broadcast_in_dim3A_237 = vector.shape_cast %eq3A_229 : vector<1x1024xi1> to vector<1x1024xi1>
      %broadcast_in_dim3A_238 = vector.broadcast %broadcast_in_dim3A_237 : vector<1x1024xi1> to vector<2x1024xi1>
      %broadcast_in_dim3A_239 = vector.shape_cast %select_n3A_235 : vector<2x1xf32> to vector<2x1xf32>
      %broadcast_in_dim3A_240 = vector.broadcast %broadcast_in_dim3A_239 : vector<2x1xf32> to vector<2x1024xf32>
      %broadcast_in_dim3A_241 = vector.broadcast %jit3A_236 : f32 to vector<2x1024xf32>
      %select_n3A_242 = arith.select %broadcast_in_dim3A_238, %broadcast_in_dim3A_240, %broadcast_in_dim3A_241 : vector<2x1024xi1>, vector<2x1024xf32>
      %add3A_243 = arith.addf %scan3A_147, %select_n3A_242 : vector<2x1024xf32>
      %eq3A_244 = arith.constant 0 : i32
      %eq3A_245 = vector.broadcast %eq3A_244 : i32 to vector<2x1xi32>
      %eq3A_246 = arith.cmpi eq, %iota3A_16, %eq3A_245 : vector<2x1xi32>
      %broadcast_in_dim3A_247 = vector.broadcast %reduce_sum3A_206 : f32 to vector<2x1xf32>
      %broadcast_in_dim3A_248 = vector.broadcast %reduce_sum3A_212 : f32 to vector<2x1xf32>
      %select_n3A_249 = arith.select %eq3A_246, %broadcast_in_dim3A_247, %broadcast_in_dim3A_248 : vector<2x1xi1>, vector<2x1xf32>
      %jit3A_250 = arith.constant 0.000000e+00 : f32
      %broadcast_in_dim3A_251 = vector.shape_cast %eq3A_229 : vector<1x1024xi1> to vector<1x1024xi1>
      %broadcast_in_dim3A_252 = vector.broadcast %broadcast_in_dim3A_251 : vector<1x1024xi1> to vector<2x1024xi1>
      %broadcast_in_dim3A_253 = vector.shape_cast %select_n3A_249 : vector<2x1xf32> to vector<2x1xf32>
      %broadcast_in_dim3A_254 = vector.broadcast %broadcast_in_dim3A_253 : vector<2x1xf32> to vector<2x1024xf32>
      %broadcast_in_dim3A_255 = vector.broadcast %jit3A_250 : f32 to vector<2x1024xf32>
      %select_n3A_256 = arith.select %broadcast_in_dim3A_252, %broadcast_in_dim3A_254, %broadcast_in_dim3A_255 : vector<2x1024xi1>, vector<2x1024xf32>
      %add3A_257 = arith.addf %scan3A_148, %select_n3A_256 : vector<2x1024xf32>
      %eq3A_258 = arith.constant 0 : i32
      %eq3A_259 = vector.broadcast %eq3A_258 : i32 to vector<2x1xi32>
      %eq3A_260 = arith.cmpi eq, %iota3A_16, %eq3A_259 : vector<2x1xi32>
      %broadcast_in_dim3A_261 = vector.broadcast %reduce_sum3A_221 : f32 to vector<2x1xf32>
      %broadcast_in_dim3A_262 = vector.broadcast %reduce_sum3A_227 : f32 to vector<2x1xf32>
      %select_n3A_263 = arith.select %eq3A_260, %broadcast_in_dim3A_261, %broadcast_in_dim3A_262 : vector<2x1xi1>, vector<2x1xf32>
      %jit3A_264 = arith.constant 0.000000e+00 : f32
      %broadcast_in_dim3A_265 = vector.shape_cast %eq3A_229 : vector<1x1024xi1> to vector<1x1024xi1>
      %broadcast_in_dim3A_266 = vector.broadcast %broadcast_in_dim3A_265 : vector<1x1024xi1> to vector<2x1024xi1>
      %broadcast_in_dim3A_267 = vector.shape_cast %select_n3A_263 : vector<2x1xf32> to vector<2x1xf32>
      %broadcast_in_dim3A_268 = vector.broadcast %broadcast_in_dim3A_267 : vector<2x1xf32> to vector<2x1024xf32>
      %broadcast_in_dim3A_269 = vector.broadcast %jit3A_264 : f32 to vector<2x1024xf32>
      %select_n3A_270 = arith.select %broadcast_in_dim3A_266, %broadcast_in_dim3A_268, %broadcast_in_dim3A_269 : vector<2x1024xi1>, vector<2x1024xf32>
      %add3A_271 = arith.addf %scan3A_149, %select_n3A_270 : vector<2x1024xf32>
      %broadcast_in_dim3A_272 = vector.broadcast %reduce_sum3A_191 : f32 to vector<16x1024xf32>
      %broadcast_in_dim3A_273 = vector.broadcast %reduce_sum3A_197 : f32 to vector<16x1024xf32>
      %select_n3A_274 = arith.select %lt3A_10, %broadcast_in_dim3A_272, %broadcast_in_dim3A_273 : vector<16x1024xi1>, vector<16x1024xf32>
      %broadcast_in_dim3A_275 = vector.broadcast %reduce_sum3A_206 : f32 to vector<16x1024xf32>
      %broadcast_in_dim3A_276 = vector.broadcast %reduce_sum3A_212 : f32 to vector<16x1024xf32>
      %select_n3A_277 = arith.select %lt3A_10, %broadcast_in_dim3A_275, %broadcast_in_dim3A_276 : vector<16x1024xi1>, vector<16x1024xf32>
      %broadcast_in_dim3A_278 = vector.broadcast %reduce_sum3A_221 : f32 to vector<16x1024xf32>
      %broadcast_in_dim3A_279 = vector.broadcast %reduce_sum3A_227 : f32 to vector<16x1024xf32>
      %select_n3A_280 = arith.select %lt3A_10, %broadcast_in_dim3A_278, %broadcast_in_dim3A_279 : vector<16x1024xi1>, vector<16x1024xf32>
      %sub3A_281 = arith.subf %get3A_1, %select_n3A_274 : vector<16x1024xf32>
      %integer_pow3A_282 = arith.mulf %sub3A_281, %sub3A_281 : vector<16x1024xf32>
      %sub3A_283 = arith.subf %get3A_4, %select_n3A_277 : vector<16x1024xf32>
      %integer_pow3A_284 = arith.mulf %sub3A_283, %sub3A_283 : vector<16x1024xf32>
      %add3A_285 = arith.addf %integer_pow3A_282, %integer_pow3A_284 : vector<16x1024xf32>
      %sub3A_286 = arith.subf %get3A_7, %select_n3A_280 : vector<16x1024xf32>
      %integer_pow3A_287 = arith.mulf %sub3A_286, %sub3A_286 : vector<16x1024xf32>
      %add3A_288 = arith.addf %add3A_285, %integer_pow3A_287 : vector<16x1024xf32>
      %min3A = arith.minimumf %scan3A_146, %add3A_288 : vector<16x1024xf32>
      %scan3A_289 = arith.constant 1 : i32
      %scan3A_290 = arith.addi %scan3A_145, %scan3A_289 : i32
      %slice3A_291 = vector.extract_strided_slice %min3A {offsets = [0, 0], sizes = [8, 1024], strides = [1, 1]} : vector<16x1024xf32> to vector<8x1024xf32>
      %reduce_max3A_292 = vector.shape_cast %slice3A_291 : vector<8x1024xf32> to vector<1x8x1024xf32>
      %reduce_max3A_293 = arith.constant dense<0xFF800000> : vector<1xf32>
      %reduce_max3A_294 = vector.multi_reduction <maximumf>, %reduce_max3A_292, %reduce_max3A_293 [1, 2] : vector<1x8x1024xf32> to vector<1xf32>
      %reduce_max3A_295 = vector.shape_cast %reduce_max3A_294 : vector<1xf32> to vector<1x1x1xf32>
      %reduce_max3A_296 = vector.extract %reduce_max3A_295[0, 0, 0] : f32 from vector<1x1x1xf32>
      %slice3A_297 = vector.extract_strided_slice %min3A {offsets = [8, 0], sizes = [8, 1024], strides = [1, 1]} : vector<16x1024xf32> to vector<8x1024xf32>
      %reduce_max3A_298 = vector.shape_cast %slice3A_297 : vector<8x1024xf32> to vector<1x8x1024xf32>
      %reduce_max3A_299 = arith.constant dense<0xFF800000> : vector<1xf32>
      %reduce_max3A_300 = vector.multi_reduction <maximumf>, %reduce_max3A_298, %reduce_max3A_299 [1, 2] : vector<1x8x1024xf32> to vector<1xf32>
      %reduce_max3A_301 = vector.shape_cast %reduce_max3A_300 : vector<1xf32> to vector<1x1x1xf32>
      %reduce_max3A_302 = vector.extract %reduce_max3A_301[0, 0, 0] : f32 from vector<1x1x1xf32>
      %broadcast_in_dim3A_303 = vector.broadcast %reduce_max3A_296 : f32 to vector<16x1024xf32>
      %broadcast_in_dim3A_304 = vector.broadcast %reduce_max3A_302 : f32 to vector<16x1024xf32>
      %select_n3A_305 = arith.select %lt3A_10, %broadcast_in_dim3A_303, %broadcast_in_dim3A_304 : vector<16x1024xi1>, vector<16x1024xf32>
      %eq3A_306 = arith.cmpf oeq, %min3A, %select_n3A_305 : vector<16x1024xf32>
      %jit3A_307 = arith.constant 8192 : i32
      %broadcast_in_dim3A_308 = vector.broadcast %jit3A_307 : i32 to vector<16x1024xi32>
      %select_n3A_309 = arith.select %eq3A_306, %add3A, %broadcast_in_dim3A_308 : vector<16x1024xi1>, vector<16x1024xi32>
      %slice3A_310 = vector.extract_strided_slice %select_n3A_309 {offsets = [0, 0], sizes = [8, 1024], strides = [1, 1]} : vector<16x1024xi32> to vector<8x1024xi32>
      %reduce_min3A_311 = vector.shape_cast %slice3A_310 : vector<8x1024xi32> to vector<1x8x1024xi32>
      %reduce_min3A_312 = arith.constant dense<2147483647> : vector<1xi32>
      %reduce_min3A_313 = vector.multi_reduction <minsi>, %reduce_min3A_311, %reduce_min3A_312 [1, 2] : vector<1x8x1024xi32> to vector<1xi32>
      %reduce_min3A_314 = vector.shape_cast %reduce_min3A_313 : vector<1xi32> to vector<1x1x1xi32>
      %reduce_min3A_315 = vector.extract %reduce_min3A_314[0, 0, 0] : i32 from vector<1x1x1xi32>
      %slice3A_316 = vector.extract_strided_slice %select_n3A_309 {offsets = [8, 0], sizes = [8, 1024], strides = [1, 1]} : vector<16x1024xi32> to vector<8x1024xi32>
      %reduce_min3A_317 = vector.shape_cast %slice3A_316 : vector<8x1024xi32> to vector<1x8x1024xi32>
      %reduce_min3A_318 = arith.constant dense<2147483647> : vector<1xi32>
      %reduce_min3A_319 = vector.multi_reduction <minsi>, %reduce_min3A_317, %reduce_min3A_318 [1, 2] : vector<1x8x1024xi32> to vector<1xi32>
      %reduce_min3A_320 = vector.shape_cast %reduce_min3A_319 : vector<1xi32> to vector<1x1x1xi32>
      %reduce_min3A_321 = vector.extract %reduce_min3A_320[0, 0, 0] : i32 from vector<1x1x1xi32>
      %broadcast_in_dim3A_322 = vector.broadcast %reduce_min3A_315 : i32 to vector<16x1024xi32>
      %broadcast_in_dim3A_323 = vector.broadcast %reduce_min3A_321 : i32 to vector<16x1024xi32>
      %select_n3A_324 = arith.select %lt3A_10, %broadcast_in_dim3A_322, %broadcast_in_dim3A_323 : vector<16x1024xi1>, vector<16x1024xi32>
      %eq3A_325 = arith.cmpi eq, %add3A, %select_n3A_324 : vector<16x1024xi32>
      %jit3A_326 = arith.constant 0.000000e+00 : f32
      %broadcast_in_dim3A_327 = vector.broadcast %jit3A_326 : f32 to vector<16x1024xf32>
      %select_n3A_328 = arith.select %eq3A_325, %get3A_1, %broadcast_in_dim3A_327 : vector<16x1024xi1>, vector<16x1024xf32>
      %slice3A_329 = vector.extract_strided_slice %select_n3A_328 {offsets = [0, 0], sizes = [8, 1024], strides = [1, 1]} : vector<16x1024xf32> to vector<8x1024xf32>
      %reduce_sum3A_330 = vector.shape_cast %slice3A_329 : vector<8x1024xf32> to vector<1x8x1024xf32>
      %reduce_sum3A_331 = arith.constant dense<0.000000e+00> : vector<1xf32>
      %reduce_sum3A_332 = vector.multi_reduction <add>, %reduce_sum3A_330, %reduce_sum3A_331 [1, 2] : vector<1x8x1024xf32> to vector<1xf32>
      %reduce_sum3A_333 = vector.shape_cast %reduce_sum3A_332 : vector<1xf32> to vector<1x1x1xf32>
      %reduce_sum3A_334 = vector.extract %reduce_sum3A_333[0, 0, 0] : f32 from vector<1x1x1xf32>
      %slice3A_335 = vector.extract_strided_slice %select_n3A_328 {offsets = [8, 0], sizes = [8, 1024], strides = [1, 1]} : vector<16x1024xf32> to vector<8x1024xf32>
      %reduce_sum3A_336 = vector.shape_cast %slice3A_335 : vector<8x1024xf32> to vector<1x8x1024xf32>
      %reduce_sum3A_337 = arith.constant dense<0.000000e+00> : vector<1xf32>
      %reduce_sum3A_338 = vector.multi_reduction <add>, %reduce_sum3A_336, %reduce_sum3A_337 [1, 2] : vector<1x8x1024xf32> to vector<1xf32>
      %reduce_sum3A_339 = vector.shape_cast %reduce_sum3A_338 : vector<1xf32> to vector<1x1x1xf32>
      %reduce_sum3A_340 = vector.extract %reduce_sum3A_339[0, 0, 0] : f32 from vector<1x1x1xf32>
      %jit3A_341 = arith.constant 0.000000e+00 : f32
      %broadcast_in_dim3A_342 = vector.broadcast %jit3A_341 : f32 to vector<16x1024xf32>
      %select_n3A_343 = arith.select %eq3A_325, %get3A_4, %broadcast_in_dim3A_342 : vector<16x1024xi1>, vector<16x1024xf32>
      %slice3A_344 = vector.extract_strided_slice %select_n3A_343 {offsets = [0, 0], sizes = [8, 1024], strides = [1, 1]} : vector<16x1024xf32> to vector<8x1024xf32>
      %reduce_sum3A_345 = vector.shape_cast %slice3A_344 : vector<8x1024xf32> to vector<1x8x1024xf32>
      %reduce_sum3A_346 = arith.constant dense<0.000000e+00> : vector<1xf32>
      %reduce_sum3A_347 = vector.multi_reduction <add>, %reduce_sum3A_345, %reduce_sum3A_346 [1, 2] : vector<1x8x1024xf32> to vector<1xf32>
      %reduce_sum3A_348 = vector.shape_cast %reduce_sum3A_347 : vector<1xf32> to vector<1x1x1xf32>
      %reduce_sum3A_349 = vector.extract %reduce_sum3A_348[0, 0, 0] : f32 from vector<1x1x1xf32>
      %slice3A_350 = vector.extract_strided_slice %select_n3A_343 {offsets = [8, 0], sizes = [8, 1024], strides = [1, 1]} : vector<16x1024xf32> to vector<8x1024xf32>
      %reduce_sum3A_351 = vector.shape_cast %slice3A_350 : vector<8x1024xf32> to vector<1x8x1024xf32>
      %reduce_sum3A_352 = arith.constant dense<0.000000e+00> : vector<1xf32>
      %reduce_sum3A_353 = vector.multi_reduction <add>, %reduce_sum3A_351, %reduce_sum3A_352 [1, 2] : vector<1x8x1024xf32> to vector<1xf32>
      %reduce_sum3A_354 = vector.shape_cast %reduce_sum3A_353 : vector<1xf32> to vector<1x1x1xf32>
      %reduce_sum3A_355 = vector.extract %reduce_sum3A_354[0, 0, 0] : f32 from vector<1x1x1xf32>
      %jit3A_356 = arith.constant 0.000000e+00 : f32
      %broadcast_in_dim3A_357 = vector.broadcast %jit3A_356 : f32 to vector<16x1024xf32>
      %select_n3A_358 = arith.select %eq3A_325, %get3A_7, %broadcast_in_dim3A_357 : vector<16x1024xi1>, vector<16x1024xf32>
      %slice3A_359 = vector.extract_strided_slice %select_n3A_358 {offsets = [0, 0], sizes = [8, 1024], strides = [1, 1]} : vector<16x1024xf32> to vector<8x1024xf32>
      %reduce_sum3A_360 = vector.shape_cast %slice3A_359 : vector<8x1024xf32> to vector<1x8x1024xf32>
      %reduce_sum3A_361 = arith.constant dense<0.000000e+00> : vector<1xf32>
      %reduce_sum3A_362 = vector.multi_reduction <add>, %reduce_sum3A_360, %reduce_sum3A_361 [1, 2] : vector<1x8x1024xf32> to vector<1xf32>
      %reduce_sum3A_363 = vector.shape_cast %reduce_sum3A_362 : vector<1xf32> to vector<1x1x1xf32>
      %reduce_sum3A_364 = vector.extract %reduce_sum3A_363[0, 0, 0] : f32 from vector<1x1x1xf32>
      %slice3A_365 = vector.extract_strided_slice %select_n3A_358 {offsets = [8, 0], sizes = [8, 1024], strides = [1, 1]} : vector<16x1024xf32> to vector<8x1024xf32>
      %reduce_sum3A_366 = vector.shape_cast %slice3A_365 : vector<8x1024xf32> to vector<1x8x1024xf32>
      %reduce_sum3A_367 = arith.constant dense<0.000000e+00> : vector<1xf32>
      %reduce_sum3A_368 = vector.multi_reduction <add>, %reduce_sum3A_366, %reduce_sum3A_367 [1, 2] : vector<1x8x1024xf32> to vector<1xf32>
      %reduce_sum3A_369 = vector.shape_cast %reduce_sum3A_368 : vector<1xf32> to vector<1x1x1xf32>
      %reduce_sum3A_370 = vector.extract %reduce_sum3A_369[0, 0, 0] : f32 from vector<1x1x1xf32>
      %eq3A_371 = vector.broadcast %scan3A_290 : i32 to vector<1x1024xi32>
      %eq3A_372 = arith.cmpi eq, %iota3A_15, %eq3A_371 : vector<1x1024xi32>
      %eq3A_373 = arith.constant 0 : i32
      %eq3A_374 = vector.broadcast %eq3A_373 : i32 to vector<2x1xi32>
      %eq3A_375 = arith.cmpi eq, %iota3A_16, %eq3A_374 : vector<2x1xi32>
      %broadcast_in_dim3A_376 = vector.broadcast %reduce_sum3A_334 : f32 to vector<2x1xf32>
      %broadcast_in_dim3A_377 = vector.broadcast %reduce_sum3A_340 : f32 to vector<2x1xf32>
      %select_n3A_378 = arith.select %eq3A_375, %broadcast_in_dim3A_376, %broadcast_in_dim3A_377 : vector<2x1xi1>, vector<2x1xf32>
      %jit3A_379 = arith.constant 0.000000e+00 : f32
      %broadcast_in_dim3A_380 = vector.shape_cast %eq3A_372 : vector<1x1024xi1> to vector<1x1024xi1>
      %broadcast_in_dim3A_381 = vector.broadcast %broadcast_in_dim3A_380 : vector<1x1024xi1> to vector<2x1024xi1>
      %broadcast_in_dim3A_382 = vector.shape_cast %select_n3A_378 : vector<2x1xf32> to vector<2x1xf32>
      %broadcast_in_dim3A_383 = vector.broadcast %broadcast_in_dim3A_382 : vector<2x1xf32> to vector<2x1024xf32>
      %broadcast_in_dim3A_384 = vector.broadcast %jit3A_379 : f32 to vector<2x1024xf32>
      %select_n3A_385 = arith.select %broadcast_in_dim3A_381, %broadcast_in_dim3A_383, %broadcast_in_dim3A_384 : vector<2x1024xi1>, vector<2x1024xf32>
      %add3A_386 = arith.addf %add3A_243, %select_n3A_385 : vector<2x1024xf32>
      %eq3A_387 = arith.constant 0 : i32
      %eq3A_388 = vector.broadcast %eq3A_387 : i32 to vector<2x1xi32>
      %eq3A_389 = arith.cmpi eq, %iota3A_16, %eq3A_388 : vector<2x1xi32>
      %broadcast_in_dim3A_390 = vector.broadcast %reduce_sum3A_349 : f32 to vector<2x1xf32>
      %broadcast_in_dim3A_391 = vector.broadcast %reduce_sum3A_355 : f32 to vector<2x1xf32>
      %select_n3A_392 = arith.select %eq3A_389, %broadcast_in_dim3A_390, %broadcast_in_dim3A_391 : vector<2x1xi1>, vector<2x1xf32>
      %jit3A_393 = arith.constant 0.000000e+00 : f32
      %broadcast_in_dim3A_394 = vector.shape_cast %eq3A_372 : vector<1x1024xi1> to vector<1x1024xi1>
      %broadcast_in_dim3A_395 = vector.broadcast %broadcast_in_dim3A_394 : vector<1x1024xi1> to vector<2x1024xi1>
      %broadcast_in_dim3A_396 = vector.shape_cast %select_n3A_392 : vector<2x1xf32> to vector<2x1xf32>
      %broadcast_in_dim3A_397 = vector.broadcast %broadcast_in_dim3A_396 : vector<2x1xf32> to vector<2x1024xf32>
      %broadcast_in_dim3A_398 = vector.broadcast %jit3A_393 : f32 to vector<2x1024xf32>
      %select_n3A_399 = arith.select %broadcast_in_dim3A_395, %broadcast_in_dim3A_397, %broadcast_in_dim3A_398 : vector<2x1024xi1>, vector<2x1024xf32>
      %add3A_400 = arith.addf %add3A_257, %select_n3A_399 : vector<2x1024xf32>
      %eq3A_401 = arith.constant 0 : i32
      %eq3A_402 = vector.broadcast %eq3A_401 : i32 to vector<2x1xi32>
      %eq3A_403 = arith.cmpi eq, %iota3A_16, %eq3A_402 : vector<2x1xi32>
      %broadcast_in_dim3A_404 = vector.broadcast %reduce_sum3A_364 : f32 to vector<2x1xf32>
      %broadcast_in_dim3A_405 = vector.broadcast %reduce_sum3A_370 : f32 to vector<2x1xf32>
      %select_n3A_406 = arith.select %eq3A_403, %broadcast_in_dim3A_404, %broadcast_in_dim3A_405 : vector<2x1xi1>, vector<2x1xf32>
      %jit3A_407 = arith.constant 0.000000e+00 : f32
      %broadcast_in_dim3A_408 = vector.shape_cast %eq3A_372 : vector<1x1024xi1> to vector<1x1024xi1>
      %broadcast_in_dim3A_409 = vector.broadcast %broadcast_in_dim3A_408 : vector<1x1024xi1> to vector<2x1024xi1>
      %broadcast_in_dim3A_410 = vector.shape_cast %select_n3A_406 : vector<2x1xf32> to vector<2x1xf32>
      %broadcast_in_dim3A_411 = vector.broadcast %broadcast_in_dim3A_410 : vector<2x1xf32> to vector<2x1024xf32>
      %broadcast_in_dim3A_412 = vector.broadcast %jit3A_407 : f32 to vector<2x1024xf32>
      %select_n3A_413 = arith.select %broadcast_in_dim3A_409, %broadcast_in_dim3A_411, %broadcast_in_dim3A_412 : vector<2x1024xi1>, vector<2x1024xf32>
      %add3A_414 = arith.addf %add3A_271, %select_n3A_413 : vector<2x1024xf32>
      %broadcast_in_dim3A_415 = vector.broadcast %reduce_sum3A_334 : f32 to vector<16x1024xf32>
      %broadcast_in_dim3A_416 = vector.broadcast %reduce_sum3A_340 : f32 to vector<16x1024xf32>
      %select_n3A_417 = arith.select %lt3A_10, %broadcast_in_dim3A_415, %broadcast_in_dim3A_416 : vector<16x1024xi1>, vector<16x1024xf32>
      %broadcast_in_dim3A_418 = vector.broadcast %reduce_sum3A_349 : f32 to vector<16x1024xf32>
      %broadcast_in_dim3A_419 = vector.broadcast %reduce_sum3A_355 : f32 to vector<16x1024xf32>
      %select_n3A_420 = arith.select %lt3A_10, %broadcast_in_dim3A_418, %broadcast_in_dim3A_419 : vector<16x1024xi1>, vector<16x1024xf32>
      %broadcast_in_dim3A_421 = vector.broadcast %reduce_sum3A_364 : f32 to vector<16x1024xf32>
      %broadcast_in_dim3A_422 = vector.broadcast %reduce_sum3A_370 : f32 to vector<16x1024xf32>
      %select_n3A_423 = arith.select %lt3A_10, %broadcast_in_dim3A_421, %broadcast_in_dim3A_422 : vector<16x1024xi1>, vector<16x1024xf32>
      %sub3A_424 = arith.subf %get3A_1, %select_n3A_417 : vector<16x1024xf32>
      %integer_pow3A_425 = arith.mulf %sub3A_424, %sub3A_424 : vector<16x1024xf32>
      %sub3A_426 = arith.subf %get3A_4, %select_n3A_420 : vector<16x1024xf32>
      %integer_pow3A_427 = arith.mulf %sub3A_426, %sub3A_426 : vector<16x1024xf32>
      %add3A_428 = arith.addf %integer_pow3A_425, %integer_pow3A_427 : vector<16x1024xf32>
      %sub3A_429 = arith.subf %get3A_7, %select_n3A_423 : vector<16x1024xf32>
      %integer_pow3A_430 = arith.mulf %sub3A_429, %sub3A_429 : vector<16x1024xf32>
      %add3A_431 = arith.addf %add3A_428, %integer_pow3A_430 : vector<16x1024xf32>
      %min3A_432 = arith.minimumf %min3A, %add3A_431 : vector<16x1024xf32>
      %scan3A_433 = arith.constant 2 : i32
      %scan3A_434 = arith.addi %scan3A_145, %scan3A_433 : i32
      %slice3A_435 = vector.extract_strided_slice %min3A_432 {offsets = [0, 0], sizes = [8, 1024], strides = [1, 1]} : vector<16x1024xf32> to vector<8x1024xf32>
      %reduce_max3A_436 = vector.shape_cast %slice3A_435 : vector<8x1024xf32> to vector<1x8x1024xf32>
      %reduce_max3A_437 = arith.constant dense<0xFF800000> : vector<1xf32>
      %reduce_max3A_438 = vector.multi_reduction <maximumf>, %reduce_max3A_436, %reduce_max3A_437 [1, 2] : vector<1x8x1024xf32> to vector<1xf32>
      %reduce_max3A_439 = vector.shape_cast %reduce_max3A_438 : vector<1xf32> to vector<1x1x1xf32>
      %reduce_max3A_440 = vector.extract %reduce_max3A_439[0, 0, 0] : f32 from vector<1x1x1xf32>
      %slice3A_441 = vector.extract_strided_slice %min3A_432 {offsets = [8, 0], sizes = [8, 1024], strides = [1, 1]} : vector<16x1024xf32> to vector<8x1024xf32>
      %reduce_max3A_442 = vector.shape_cast %slice3A_441 : vector<8x1024xf32> to vector<1x8x1024xf32>
      %reduce_max3A_443 = arith.constant dense<0xFF800000> : vector<1xf32>
      %reduce_max3A_444 = vector.multi_reduction <maximumf>, %reduce_max3A_442, %reduce_max3A_443 [1, 2] : vector<1x8x1024xf32> to vector<1xf32>
      %reduce_max3A_445 = vector.shape_cast %reduce_max3A_444 : vector<1xf32> to vector<1x1x1xf32>
      %reduce_max3A_446 = vector.extract %reduce_max3A_445[0, 0, 0] : f32 from vector<1x1x1xf32>
      %broadcast_in_dim3A_447 = vector.broadcast %reduce_max3A_440 : f32 to vector<16x1024xf32>
      %broadcast_in_dim3A_448 = vector.broadcast %reduce_max3A_446 : f32 to vector<16x1024xf32>
      %select_n3A_449 = arith.select %lt3A_10, %broadcast_in_dim3A_447, %broadcast_in_dim3A_448 : vector<16x1024xi1>, vector<16x1024xf32>
      %eq3A_450 = arith.cmpf oeq, %min3A_432, %select_n3A_449 : vector<16x1024xf32>
      %jit3A_451 = arith.constant 8192 : i32
      %broadcast_in_dim3A_452 = vector.broadcast %jit3A_451 : i32 to vector<16x1024xi32>
      %select_n3A_453 = arith.select %eq3A_450, %add3A, %broadcast_in_dim3A_452 : vector<16x1024xi1>, vector<16x1024xi32>
      %slice3A_454 = vector.extract_strided_slice %select_n3A_453 {offsets = [0, 0], sizes = [8, 1024], strides = [1, 1]} : vector<16x1024xi32> to vector<8x1024xi32>
      %reduce_min3A_455 = vector.shape_cast %slice3A_454 : vector<8x1024xi32> to vector<1x8x1024xi32>
      %reduce_min3A_456 = arith.constant dense<2147483647> : vector<1xi32>
      %reduce_min3A_457 = vector.multi_reduction <minsi>, %reduce_min3A_455, %reduce_min3A_456 [1, 2] : vector<1x8x1024xi32> to vector<1xi32>
      %reduce_min3A_458 = vector.shape_cast %reduce_min3A_457 : vector<1xi32> to vector<1x1x1xi32>
      %reduce_min3A_459 = vector.extract %reduce_min3A_458[0, 0, 0] : i32 from vector<1x1x1xi32>
      %slice3A_460 = vector.extract_strided_slice %select_n3A_453 {offsets = [8, 0], sizes = [8, 1024], strides = [1, 1]} : vector<16x1024xi32> to vector<8x1024xi32>
      %reduce_min3A_461 = vector.shape_cast %slice3A_460 : vector<8x1024xi32> to vector<1x8x1024xi32>
      %reduce_min3A_462 = arith.constant dense<2147483647> : vector<1xi32>
      %reduce_min3A_463 = vector.multi_reduction <minsi>, %reduce_min3A_461, %reduce_min3A_462 [1, 2] : vector<1x8x1024xi32> to vector<1xi32>
      %reduce_min3A_464 = vector.shape_cast %reduce_min3A_463 : vector<1xi32> to vector<1x1x1xi32>
      %reduce_min3A_465 = vector.extract %reduce_min3A_464[0, 0, 0] : i32 from vector<1x1x1xi32>
      %broadcast_in_dim3A_466 = vector.broadcast %reduce_min3A_459 : i32 to vector<16x1024xi32>
      %broadcast_in_dim3A_467 = vector.broadcast %reduce_min3A_465 : i32 to vector<16x1024xi32>
      %select_n3A_468 = arith.select %lt3A_10, %broadcast_in_dim3A_466, %broadcast_in_dim3A_467 : vector<16x1024xi1>, vector<16x1024xi32>
      %eq3A_469 = arith.cmpi eq, %add3A, %select_n3A_468 : vector<16x1024xi32>
      %jit3A_470 = arith.constant 0.000000e+00 : f32
      %broadcast_in_dim3A_471 = vector.broadcast %jit3A_470 : f32 to vector<16x1024xf32>
      %select_n3A_472 = arith.select %eq3A_469, %get3A_1, %broadcast_in_dim3A_471 : vector<16x1024xi1>, vector<16x1024xf32>
      %slice3A_473 = vector.extract_strided_slice %select_n3A_472 {offsets = [0, 0], sizes = [8, 1024], strides = [1, 1]} : vector<16x1024xf32> to vector<8x1024xf32>
      %reduce_sum3A_474 = vector.shape_cast %slice3A_473 : vector<8x1024xf32> to vector<1x8x1024xf32>
      %reduce_sum3A_475 = arith.constant dense<0.000000e+00> : vector<1xf32>
      %reduce_sum3A_476 = vector.multi_reduction <add>, %reduce_sum3A_474, %reduce_sum3A_475 [1, 2] : vector<1x8x1024xf32> to vector<1xf32>
      %reduce_sum3A_477 = vector.shape_cast %reduce_sum3A_476 : vector<1xf32> to vector<1x1x1xf32>
      %reduce_sum3A_478 = vector.extract %reduce_sum3A_477[0, 0, 0] : f32 from vector<1x1x1xf32>
      %slice3A_479 = vector.extract_strided_slice %select_n3A_472 {offsets = [8, 0], sizes = [8, 1024], strides = [1, 1]} : vector<16x1024xf32> to vector<8x1024xf32>
      %reduce_sum3A_480 = vector.shape_cast %slice3A_479 : vector<8x1024xf32> to vector<1x8x1024xf32>
      %reduce_sum3A_481 = arith.constant dense<0.000000e+00> : vector<1xf32>
      %reduce_sum3A_482 = vector.multi_reduction <add>, %reduce_sum3A_480, %reduce_sum3A_481 [1, 2] : vector<1x8x1024xf32> to vector<1xf32>
      %reduce_sum3A_483 = vector.shape_cast %reduce_sum3A_482 : vector<1xf32> to vector<1x1x1xf32>
      %reduce_sum3A_484 = vector.extract %reduce_sum3A_483[0, 0, 0] : f32 from vector<1x1x1xf32>
      %jit3A_485 = arith.constant 0.000000e+00 : f32
      %broadcast_in_dim3A_486 = vector.broadcast %jit3A_485 : f32 to vector<16x1024xf32>
      %select_n3A_487 = arith.select %eq3A_469, %get3A_4, %broadcast_in_dim3A_486 : vector<16x1024xi1>, vector<16x1024xf32>
      %slice3A_488 = vector.extract_strided_slice %select_n3A_487 {offsets = [0, 0], sizes = [8, 1024], strides = [1, 1]} : vector<16x1024xf32> to vector<8x1024xf32>
      %reduce_sum3A_489 = vector.shape_cast %slice3A_488 : vector<8x1024xf32> to vector<1x8x1024xf32>
      %reduce_sum3A_490 = arith.constant dense<0.000000e+00> : vector<1xf32>
      %reduce_sum3A_491 = vector.multi_reduction <add>, %reduce_sum3A_489, %reduce_sum3A_490 [1, 2] : vector<1x8x1024xf32> to vector<1xf32>
      %reduce_sum3A_492 = vector.shape_cast %reduce_sum3A_491 : vector<1xf32> to vector<1x1x1xf32>
      %reduce_sum3A_493 = vector.extract %reduce_sum3A_492[0, 0, 0] : f32 from vector<1x1x1xf32>
      %slice3A_494 = vector.extract_strided_slice %select_n3A_487 {offsets = [8, 0], sizes = [8, 1024], strides = [1, 1]} : vector<16x1024xf32> to vector<8x1024xf32>
      %reduce_sum3A_495 = vector.shape_cast %slice3A_494 : vector<8x1024xf32> to vector<1x8x1024xf32>
      %reduce_sum3A_496 = arith.constant dense<0.000000e+00> : vector<1xf32>
      %reduce_sum3A_497 = vector.multi_reduction <add>, %reduce_sum3A_495, %reduce_sum3A_496 [1, 2] : vector<1x8x1024xf32> to vector<1xf32>
      %reduce_sum3A_498 = vector.shape_cast %reduce_sum3A_497 : vector<1xf32> to vector<1x1x1xf32>
      %reduce_sum3A_499 = vector.extract %reduce_sum3A_498[0, 0, 0] : f32 from vector<1x1x1xf32>
      %jit3A_500 = arith.constant 0.000000e+00 : f32
      %broadcast_in_dim3A_501 = vector.broadcast %jit3A_500 : f32 to vector<16x1024xf32>
      %select_n3A_502 = arith.select %eq3A_469, %get3A_7, %broadcast_in_dim3A_501 : vector<16x1024xi1>, vector<16x1024xf32>
      %slice3A_503 = vector.extract_strided_slice %select_n3A_502 {offsets = [0, 0], sizes = [8, 1024], strides = [1, 1]} : vector<16x1024xf32> to vector<8x1024xf32>
      %reduce_sum3A_504 = vector.shape_cast %slice3A_503 : vector<8x1024xf32> to vector<1x8x1024xf32>
      %reduce_sum3A_505 = arith.constant dense<0.000000e+00> : vector<1xf32>
      %reduce_sum3A_506 = vector.multi_reduction <add>, %reduce_sum3A_504, %reduce_sum3A_505 [1, 2] : vector<1x8x1024xf32> to vector<1xf32>
      %reduce_sum3A_507 = vector.shape_cast %reduce_sum3A_506 : vector<1xf32> to vector<1x1x1xf32>
      %reduce_sum3A_508 = vector.extract %reduce_sum3A_507[0, 0, 0] : f32 from vector<1x1x1xf32>
      %slice3A_509 = vector.extract_strided_slice %select_n3A_502 {offsets = [8, 0], sizes = [8, 1024], strides = [1, 1]} : vector<16x1024xf32> to vector<8x1024xf32>
      %reduce_sum3A_510 = vector.shape_cast %slice3A_509 : vector<8x1024xf32> to vector<1x8x1024xf32>
      %reduce_sum3A_511 = arith.constant dense<0.000000e+00> : vector<1xf32>
      %reduce_sum3A_512 = vector.multi_reduction <add>, %reduce_sum3A_510, %reduce_sum3A_511 [1, 2] : vector<1x8x1024xf32> to vector<1xf32>
      %reduce_sum3A_513 = vector.shape_cast %reduce_sum3A_512 : vector<1xf32> to vector<1x1x1xf32>
      %reduce_sum3A_514 = vector.extract %reduce_sum3A_513[0, 0, 0] : f32 from vector<1x1x1xf32>
      %eq3A_515 = vector.broadcast %scan3A_434 : i32 to vector<1x1024xi32>
      %eq3A_516 = arith.cmpi eq, %iota3A_15, %eq3A_515 : vector<1x1024xi32>
      %eq3A_517 = arith.constant 0 : i32
      %eq3A_518 = vector.broadcast %eq3A_517 : i32 to vector<2x1xi32>
      %eq3A_519 = arith.cmpi eq, %iota3A_16, %eq3A_518 : vector<2x1xi32>
      %broadcast_in_dim3A_520 = vector.broadcast %reduce_sum3A_478 : f32 to vector<2x1xf32>
      %broadcast_in_dim3A_521 = vector.broadcast %reduce_sum3A_484 : f32 to vector<2x1xf32>
      %select_n3A_522 = arith.select %eq3A_519, %broadcast_in_dim3A_520, %broadcast_in_dim3A_521 : vector<2x1xi1>, vector<2x1xf32>
      %jit3A_523 = arith.constant 0.000000e+00 : f32
      %broadcast_in_dim3A_524 = vector.shape_cast %eq3A_516 : vector<1x1024xi1> to vector<1x1024xi1>
      %broadcast_in_dim3A_525 = vector.broadcast %broadcast_in_dim3A_524 : vector<1x1024xi1> to vector<2x1024xi1>
      %broadcast_in_dim3A_526 = vector.shape_cast %select_n3A_522 : vector<2x1xf32> to vector<2x1xf32>
      %broadcast_in_dim3A_527 = vector.broadcast %broadcast_in_dim3A_526 : vector<2x1xf32> to vector<2x1024xf32>
      %broadcast_in_dim3A_528 = vector.broadcast %jit3A_523 : f32 to vector<2x1024xf32>
      %select_n3A_529 = arith.select %broadcast_in_dim3A_525, %broadcast_in_dim3A_527, %broadcast_in_dim3A_528 : vector<2x1024xi1>, vector<2x1024xf32>
      %add3A_530 = arith.addf %add3A_386, %select_n3A_529 : vector<2x1024xf32>
      %eq3A_531 = arith.constant 0 : i32
      %eq3A_532 = vector.broadcast %eq3A_531 : i32 to vector<2x1xi32>
      %eq3A_533 = arith.cmpi eq, %iota3A_16, %eq3A_532 : vector<2x1xi32>
      %broadcast_in_dim3A_534 = vector.broadcast %reduce_sum3A_493 : f32 to vector<2x1xf32>
      %broadcast_in_dim3A_535 = vector.broadcast %reduce_sum3A_499 : f32 to vector<2x1xf32>
      %select_n3A_536 = arith.select %eq3A_533, %broadcast_in_dim3A_534, %broadcast_in_dim3A_535 : vector<2x1xi1>, vector<2x1xf32>
      %jit3A_537 = arith.constant 0.000000e+00 : f32
      %broadcast_in_dim3A_538 = vector.shape_cast %eq3A_516 : vector<1x1024xi1> to vector<1x1024xi1>
      %broadcast_in_dim3A_539 = vector.broadcast %broadcast_in_dim3A_538 : vector<1x1024xi1> to vector<2x1024xi1>
      %broadcast_in_dim3A_540 = vector.shape_cast %select_n3A_536 : vector<2x1xf32> to vector<2x1xf32>
      %broadcast_in_dim3A_541 = vector.broadcast %broadcast_in_dim3A_540 : vector<2x1xf32> to vector<2x1024xf32>
      %broadcast_in_dim3A_542 = vector.broadcast %jit3A_537 : f32 to vector<2x1024xf32>
      %select_n3A_543 = arith.select %broadcast_in_dim3A_539, %broadcast_in_dim3A_541, %broadcast_in_dim3A_542 : vector<2x1024xi1>, vector<2x1024xf32>
      %add3A_544 = arith.addf %add3A_400, %select_n3A_543 : vector<2x1024xf32>
      %eq3A_545 = arith.constant 0 : i32
      %eq3A_546 = vector.broadcast %eq3A_545 : i32 to vector<2x1xi32>
      %eq3A_547 = arith.cmpi eq, %iota3A_16, %eq3A_546 : vector<2x1xi32>
      %broadcast_in_dim3A_548 = vector.broadcast %reduce_sum3A_508 : f32 to vector<2x1xf32>
      %broadcast_in_dim3A_549 = vector.broadcast %reduce_sum3A_514 : f32 to vector<2x1xf32>
      %select_n3A_550 = arith.select %eq3A_547, %broadcast_in_dim3A_548, %broadcast_in_dim3A_549 : vector<2x1xi1>, vector<2x1xf32>
      %jit3A_551 = arith.constant 0.000000e+00 : f32
      %broadcast_in_dim3A_552 = vector.shape_cast %eq3A_516 : vector<1x1024xi1> to vector<1x1024xi1>
      %broadcast_in_dim3A_553 = vector.broadcast %broadcast_in_dim3A_552 : vector<1x1024xi1> to vector<2x1024xi1>
      %broadcast_in_dim3A_554 = vector.shape_cast %select_n3A_550 : vector<2x1xf32> to vector<2x1xf32>
      %broadcast_in_dim3A_555 = vector.broadcast %broadcast_in_dim3A_554 : vector<2x1xf32> to vector<2x1024xf32>
      %broadcast_in_dim3A_556 = vector.broadcast %jit3A_551 : f32 to vector<2x1024xf32>
      %select_n3A_557 = arith.select %broadcast_in_dim3A_553, %broadcast_in_dim3A_555, %broadcast_in_dim3A_556 : vector<2x1024xi1>, vector<2x1024xf32>
      %add3A_558 = arith.addf %add3A_414, %select_n3A_557 : vector<2x1024xf32>
      %broadcast_in_dim3A_559 = vector.broadcast %reduce_sum3A_478 : f32 to vector<16x1024xf32>
      %broadcast_in_dim3A_560 = vector.broadcast %reduce_sum3A_484 : f32 to vector<16x1024xf32>
      %select_n3A_561 = arith.select %lt3A_10, %broadcast_in_dim3A_559, %broadcast_in_dim3A_560 : vector<16x1024xi1>, vector<16x1024xf32>
      %broadcast_in_dim3A_562 = vector.broadcast %reduce_sum3A_493 : f32 to vector<16x1024xf32>
      %broadcast_in_dim3A_563 = vector.broadcast %reduce_sum3A_499 : f32 to vector<16x1024xf32>
      %select_n3A_564 = arith.select %lt3A_10, %broadcast_in_dim3A_562, %broadcast_in_dim3A_563 : vector<16x1024xi1>, vector<16x1024xf32>
      %broadcast_in_dim3A_565 = vector.broadcast %reduce_sum3A_508 : f32 to vector<16x1024xf32>
      %broadcast_in_dim3A_566 = vector.broadcast %reduce_sum3A_514 : f32 to vector<16x1024xf32>
      %select_n3A_567 = arith.select %lt3A_10, %broadcast_in_dim3A_565, %broadcast_in_dim3A_566 : vector<16x1024xi1>, vector<16x1024xf32>
      %sub3A_568 = arith.subf %get3A_1, %select_n3A_561 : vector<16x1024xf32>
      %integer_pow3A_569 = arith.mulf %sub3A_568, %sub3A_568 : vector<16x1024xf32>
      %sub3A_570 = arith.subf %get3A_4, %select_n3A_564 : vector<16x1024xf32>
      %integer_pow3A_571 = arith.mulf %sub3A_570, %sub3A_570 : vector<16x1024xf32>
      %add3A_572 = arith.addf %integer_pow3A_569, %integer_pow3A_571 : vector<16x1024xf32>
      %sub3A_573 = arith.subf %get3A_7, %select_n3A_567 : vector<16x1024xf32>
      %integer_pow3A_574 = arith.mulf %sub3A_573, %sub3A_573 : vector<16x1024xf32>
      %add3A_575 = arith.addf %add3A_572, %integer_pow3A_574 : vector<16x1024xf32>
      %min3A_576 = arith.minimumf %min3A_432, %add3A_575 : vector<16x1024xf32>
      scf.yield %min3A_576, %add3A_530, %add3A_544, %add3A_558 : vector<16x1024xf32>, vector<2x1024xf32>, vector<2x1024xf32>, vector<2x1024xf32>
    }
    %scan3A_127 = arith.constant 1023 : i32
    %swap3A = arith.constant 0 : index
    %swap3A_128 = arith.constant 0 : index
    %swap3A_129 = arith.constant 0 : index
    %swap3A_130 = vector.load %arg4[%swap3A, %swap3A_128, %swap3A_129] : memref<2x3x1024xf32, #tpu.memory_space<vmem>>, vector<2x1x1024xf32>
    %swap3A_131 = vector.shape_cast %swap3A_130 : vector<2x1x1024xf32> to vector<2x1024xf32>
    %swap3A_132 = vector.shape_cast %scan3A_126#1 : vector<2x1024xf32> to vector<2x1x1024xf32>
    tpu.vector_store %arg4[%swap3A, %swap3A_128, %swap3A_129], %swap3A_132 {strides = array<i32>} : memref<2x3x1024xf32, #tpu.memory_space<vmem>>, vector<2x1x1024xf32>,
    %swap3A_133 = arith.constant 0 : index
    %swap3A_134 = arith.constant 1 : index
    %swap3A_135 = arith.constant 0 : index
    %swap3A_136 = vector.load %arg4[%swap3A_133, %swap3A_134, %swap3A_135] : memref<2x3x1024xf32, #tpu.memory_space<vmem>>, vector<2x1x1024xf32>
    %swap3A_137 = vector.shape_cast %swap3A_136 : vector<2x1x1024xf32> to vector<2x1024xf32>
    %swap3A_138 = vector.shape_cast %scan3A_126#2 : vector<2x1024xf32> to vector<2x1x1024xf32>
    tpu.vector_store %arg4[%swap3A_133, %swap3A_134, %swap3A_135], %swap3A_138 {strides = array<i32>} : memref<2x3x1024xf32, #tpu.memory_space<vmem>>, vector<2x1x1024xf32>,
    %swap3A_139 = arith.constant 0 : index
    %swap3A_140 = arith.constant 2 : index
    %swap3A_141 = arith.constant 0 : index
    %swap3A_142 = vector.load %arg4[%swap3A_139, %swap3A_140, %swap3A_141] : memref<2x3x1024xf32, #tpu.memory_space<vmem>>, vector<2x1x1024xf32>
    %swap3A_143 = vector.shape_cast %swap3A_142 : vector<2x1x1024xf32> to vector<2x1024xf32>
    %swap3A_144 = vector.shape_cast %scan3A_126#3 : vector<2x1024xf32> to vector<2x1x1024xf32>
    tpu.vector_store %arg4[%swap3A_139, %swap3A_140, %swap3A_141], %swap3A_144 {strides = array<i32>} : memref<2x3x1024xf32, #tpu.memory_space<vmem>>, vector<2x1x1024xf32>,
    return
  }
  func.func @transform_0(%arg0: i32) -> (i32, i32) {
    %c0_i32 = arith.constant 0 : i32
    %c0_i32_0 = arith.constant 0 : i32
    %c0_i32_1 = arith.constant 0 : i32
    return %c0_i32, %c0_i32_0 : i32, i32
  }
  func.func @transform_1(%arg0: i32) -> (i32, i32) {
    %c0_i32 = arith.constant 0 : i32
    %c0_i32_0 = arith.constant 0 : i32
    %c0_i32_1 = arith.constant 0 : i32
    return %c0_i32, %c0_i32_0 : i32, i32
  }
  func.func @transform_2(%arg0: i32) -> (i32, i32) {
    %c0_i32 = arith.constant 0 : i32
    %c0_i32_0 = arith.constant 0 : i32
    %c0_i32_1 = arith.constant 0 : i32
    return %c0_i32, %c0_i32_0 : i32, i32
  }
  func.func @transform_3(%arg0: i32) -> (i32, i32, i32) {
    %c0_i32 = arith.constant 0 : i32
    %c0_i32_0 = arith.constant 0 : i32
    %c0_i32_1 = arith.constant 0 : i32
    %c0_i32_2 = arith.constant 0 : i32
    return %c0_i32, %c0_i32_0, %c0_i32_1 : i32, i32, i32
  }
}

module attributes {stable_mosaic.version = 14 : i64} {
  func.func @_pmat_body(%arg0: i32, %arg1: memref<1x3x8192xf32, #tpu.memory_space<vmem>>, %arg2: memref<1x128x8192xf32, #tpu.memory_space<vmem>>, %arg3: memref<3x128xf32, #tpu.memory_space<vmem>>, %arg4: memref<128x128xf32, #tpu.memory_space<vmem>>, %arg5: memref<1x8192x128xf32, #tpu.memory_space<vmem>>) attributes {dimension_semantics = [#tpu.dimension_semantics<arbitrary>], iteration_bounds = array<i64: 2>, scalar_prefetch = 0 : i64, scratch_operands = 0 : i64, tpu.core_type = #tpu.core_type<tc>, window_params = [{transform_indices = @transform_0, window_bounds = array<i64: 1, 3, 8192>}, {transform_indices = @transform_1, window_bounds = array<i64: 1, 128, 8192>}, {pipeline_mode = #tpu.pipeline_mode<synchronous>, transform_indices = @transform_2, window_bounds = array<i64: 3, 128>}, {pipeline_mode = #tpu.pipeline_mode<synchronous>, transform_indices = @transform_3, window_bounds = array<i64: 128, 128>}, {transform_indices = @transform_4, window_bounds = array<i64: 1, 8192, 128>}]} {
    %get3A = arith.constant 0 : index
    %get3A_0 = arith.constant 0 : index
    %get3A_1 = arith.constant 0 : index
    %get3A_2 = vector.load %arg1[%get3A, %get3A_0, %get3A_1] : memref<1x3x8192xf32, #tpu.memory_space<vmem>>, vector<1x3x8192xf32>
    %get3A_3 = vector.shape_cast %get3A_2 : vector<1x3x8192xf32> to vector<3x8192xf32>
    %get3A_4 = arith.constant 0 : index
    %get3A_5 = arith.constant 0 : index
    %get3A_6 = arith.constant 0 : index
    %get3A_7 = vector.load %arg2[%get3A_4, %get3A_5, %get3A_6] : memref<1x128x8192xf32, #tpu.memory_space<vmem>>, vector<1x128x8192xf32>
    %get3A_8 = vector.shape_cast %get3A_7 : vector<1x128x8192xf32> to vector<128x8192xf32>
    %get3A_9 = arith.constant 0 : index
    %get3A_10 = arith.constant 0 : index
    %get3A_11 = vector.load %arg4[%get3A_9, %get3A_10] : memref<128x128xf32, #tpu.memory_space<vmem>>, vector<128x128xf32>
    %dot_general3A = arith.constant dense<0.000000e+00> : vector<8192x128xf32>
    %dot_general3A_12 = tpu.matmul %get3A_8, %get3A_11, %dot_general3A {dimension_numbers = #tpu.dot_dimension_numbers<[0], [0], [1], [1], [0, 1, 1, 1], [], []>, transpose_lhs_hint = false} : vector<128x8192xf32>, vector<128x128xf32>, vector<8192x128xf32> -> vector<8192x128xf32>
    %get3A_13 = arith.constant 0 : index
    %get3A_14 = arith.constant 0 : index
    %get3A_15 = vector.load %arg3[%get3A_13, %get3A_14] : memref<3x128xf32, #tpu.memory_space<vmem>>, vector<3x128xf32>
    %dot_general3A_16 = arith.constant dense<0.000000e+00> : vector<8192x128xf32>
    %dot_general3A_17 = tpu.matmul %get3A_3, %get3A_15, %dot_general3A_16 {dimension_numbers = #tpu.dot_dimension_numbers<[0], [0], [1], [1], [0, 1, 1, 1], [], []>, transpose_lhs_hint = false} : vector<3x8192xf32>, vector<3x128xf32>, vector<8192x128xf32> -> vector<8192x128xf32>
    %add3A = arith.addf %dot_general3A_12, %dot_general3A_17 : vector<8192x128xf32>
    %swap3A = arith.constant 0 : index
    %swap3A_18 = arith.constant 0 : index
    %swap3A_19 = arith.constant 0 : index
    %swap3A_20 = vector.load %arg5[%swap3A, %swap3A_18, %swap3A_19] : memref<1x8192x128xf32, #tpu.memory_space<vmem>>, vector<1x8192x128xf32>
    %swap3A_21 = vector.shape_cast %swap3A_20 : vector<1x8192x128xf32> to vector<8192x128xf32>
    %swap3A_22 = vector.shape_cast %add3A : vector<8192x128xf32> to vector<1x8192x128xf32>
    tpu.vector_store %arg5[%swap3A, %swap3A_18, %swap3A_19], %swap3A_22 {strides = array<i32>} : memref<1x8192x128xf32, #tpu.memory_space<vmem>>, vector<1x8192x128xf32>,
    return
  }
  func.func @transform_0(%arg0: i32) -> (i32, i32, i32) {
    %c0_i32 = arith.constant 0 : i32
    %c0_i32_0 = arith.constant 0 : i32
    %c0_i32_1 = arith.constant 0 : i32
    return %arg0, %c0_i32, %c0_i32_0 : i32, i32, i32
  }
  func.func @transform_1(%arg0: i32) -> (i32, i32, i32) {
    %c0_i32 = arith.constant 0 : i32
    %c0_i32_0 = arith.constant 0 : i32
    %c0_i32_1 = arith.constant 0 : i32
    return %arg0, %c0_i32, %c0_i32_0 : i32, i32, i32
  }
  func.func @transform_2(%arg0: i32) -> (i32, i32) {
    %c0_i32 = arith.constant 0 : i32
    %c0_i32_0 = arith.constant 0 : i32
    %c0_i32_1 = arith.constant 0 : i32
    return %c0_i32, %c0_i32_0 : i32, i32
  }
  func.func @transform_3(%arg0: i32) -> (i32, i32) {
    %c0_i32 = arith.constant 0 : i32
    %c0_i32_0 = arith.constant 0 : i32
    %c0_i32_1 = arith.constant 0 : i32
    return %c0_i32, %c0_i32_0 : i32, i32
  }
  func.func @transform_4(%arg0: i32) -> (i32, i32, i32) {
    %c0_i32 = arith.constant 0 : i32
    %c0_i32_0 = arith.constant 0 : i32
    %c0_i32_1 = arith.constant 0 : i32
    return %arg0, %c0_i32, %c0_i32_0 : i32, i32, i32
  }
}

module attributes {stable_mosaic.version = 14 : i64} {
  func.func @_l1_body(%arg0: i32, %arg1: memref<256x32x128xf32, #tpu.memory_space<vmem>>, %arg2: memref<256x3xf32, #tpu.memory_space<vmem>>, %arg3: memref<3x128xf32, #tpu.memory_space<vmem>>, %arg4: memref<1x128xf32, #tpu.memory_space<vmem>>, %arg5: memref<256x32x128xf32, #tpu.memory_space<vmem>>, %arg6: memref<1x128xf32, #tpu.memory_space<vmem>>, %arg7: memref<1x128xf32, #tpu.memory_space<vmem>>) attributes {dimension_semantics = [#tpu.dimension_semantics<arbitrary>], iteration_bounds = array<i64: 8>, scalar_prefetch = 0 : i64, scratch_operands = 0 : i64, tpu.core_type = #tpu.core_type<tc>, window_params = [{transform_indices = @transform_0, window_bounds = array<i64: 256, 32, 128>}, {transform_indices = @transform_1, window_bounds = array<i64: 256, 3>}, {pipeline_mode = #tpu.pipeline_mode<synchronous>, transform_indices = @transform_2, window_bounds = array<i64: 3, 128>}, {pipeline_mode = #tpu.pipeline_mode<synchronous>, transform_indices = @transform_3, window_bounds = array<i64: 1, 128>}, {transform_indices = @transform_4, window_bounds = array<i64: 256, 32, 128>}, {pipeline_mode = #tpu.pipeline_mode<synchronous>, transform_indices = @transform_5, window_bounds = array<i64: 1, 128>}, {pipeline_mode = #tpu.pipeline_mode<synchronous>, transform_indices = @transform_6, window_bounds = array<i64: 1, 128>}]} {
    %get3A = arith.constant 0 : index
    %get3A_0 = arith.constant 0 : index
    %get3A_1 = vector.load %arg2[%get3A, %get3A_0] : memref<256x3xf32, #tpu.memory_space<vmem>>, vector<256x3xf32>
    %get3A_2 = arith.constant 0 : index
    %get3A_3 = arith.constant 0 : index
    %get3A_4 = vector.load %arg4[%get3A_2, %get3A_3] : memref<1x128xf32, #tpu.memory_space<vmem>>, vector<1x128xf32>
    %get3A_5 = arith.constant 0 : index
    %get3A_6 = arith.constant 0 : index
    %get3A_7 = vector.load %arg3[%get3A_5, %get3A_6] : memref<3x128xf32, #tpu.memory_space<vmem>>, vector<3x128xf32>
    %dot_general3A = arith.constant dense<0.000000e+00> : vector<256x128xf32>
    %dot_general3A_8 = tpu.matmul %get3A_1, %get3A_7, %dot_general3A {dimension_numbers = #tpu.dot_dimension_numbers<[1], [0], [0], [1], [0, 0, 1, 1], [], []>, transpose_lhs_hint = false} : vector<256x3xf32>, vector<3x128xf32>, vector<256x128xf32> -> vector<256x128xf32>
    %sub3A = vector.broadcast %get3A_4 : vector<1x128xf32> to vector<256x128xf32>
    %sub3A_9 = arith.subf %sub3A, %dot_general3A_8 : vector<256x128xf32>
    %get3A_10 = arith.constant 0 : index
    %get3A_11 = arith.constant 0 : index
    %get3A_12 = arith.constant 0 : index
    %get3A_13 = vector.load %arg1[%get3A_10, %get3A_11, %get3A_12] : memref<256x32x128xf32, #tpu.memory_space<vmem>>, vector<256x32x128xf32>
    %broadcast_in_dim3A = vector.shape_cast %sub3A_9 : vector<256x128xf32> to vector<256x1x128xf32>
    %add3A = vector.broadcast %broadcast_in_dim3A : vector<256x1x128xf32> to vector<256x32x128xf32>
    %add3A_14 = arith.addf %get3A_13, %add3A : vector<256x32x128xf32>
    %swap3A = arith.constant 0 : index
    %swap3A_15 = arith.constant 0 : index
    %swap3A_16 = arith.constant 0 : index
    %swap3A_17 = vector.load %arg5[%swap3A, %swap3A_15, %swap3A_16] : memref<256x32x128xf32, #tpu.memory_space<vmem>>, vector<256x32x128xf32>
    tpu.vector_store %arg5[%swap3A, %swap3A_15, %swap3A_16], %add3A_14 {strides = array<i32>} : memref<256x32x128xf32, #tpu.memory_space<vmem>>, vector<256x32x128xf32>,
    %reduce_sum3A = arith.constant dense<0.000000e+00> : vector<32x128xf32>
    %reduce_sum3A_18 = vector.multi_reduction <add>, %add3A_14, %reduce_sum3A [0] : vector<256x32x128xf32> to vector<32x128xf32>
    %reduce_sum3A_19 = arith.constant dense<0.000000e+00> : vector<128xf32>
    %reduce_sum3A_20 = vector.multi_reduction <add>, %reduce_sum3A_18, %reduce_sum3A_19 [0] : vector<32x128xf32> to vector<128xf32>
    %broadcast_in_dim3A_21 = vector.shape_cast %reduce_sum3A_20 : vector<128xf32> to vector<1x128xf32>
    %mul3A = arith.mulf %add3A_14, %add3A_14 : vector<256x32x128xf32>
    %reduce_sum3A_22 = arith.constant dense<0.000000e+00> : vector<32x128xf32>
    %reduce_sum3A_23 = vector.multi_reduction <add>, %mul3A, %reduce_sum3A_22 [0] : vector<256x32x128xf32> to vector<32x128xf32>
    %reduce_sum3A_24 = arith.constant dense<0.000000e+00> : vector<128xf32>
    %reduce_sum3A_25 = vector.multi_reduction <add>, %reduce_sum3A_23, %reduce_sum3A_24 [0] : vector<32x128xf32> to vector<128xf32>
    %broadcast_in_dim3A_26 = vector.shape_cast %reduce_sum3A_25 : vector<128xf32> to vector<1x128xf32>
    %eq3A = arith.constant 0 : i32
    %eq3A_27 = arith.cmpi eq, %arg0, %eq3A : i32
    %convert_element_type3A = arith.extui %eq3A_27 : i1 to i32
    %cond3A = arith.constant 0 : i32
    %cond3A_28 = arith.cmpi ne, %convert_element_type3A, %cond3A : i32
    scf.if %cond3A_28 {
      %swap3A_33 = arith.constant 0 : index
      %swap3A_34 = arith.constant 0 : index
      %swap3A_35 = vector.load %arg6[%swap3A_33, %swap3A_34] : memref<1x128xf32, #tpu.memory_space<vmem>>, vector<1x128xf32>
      tpu.vector_store %arg6[%swap3A_33, %swap3A_34], %broadcast_in_dim3A_21 {strides = array<i32>} : memref<1x128xf32, #tpu.memory_space<vmem>>, vector<1x128xf32>,
      %swap3A_36 = arith.constant 0 : index
      %swap3A_37 = arith.constant 0 : index
      %swap3A_38 = vector.load %arg7[%swap3A_36, %swap3A_37] : memref<1x128xf32, #tpu.memory_space<vmem>>, vector<1x128xf32>
      tpu.vector_store %arg7[%swap3A_36, %swap3A_37], %broadcast_in_dim3A_26 {strides = array<i32>} : memref<1x128xf32, #tpu.memory_space<vmem>>, vector<1x128xf32>,
    } else {
    }
    %ne3A = arith.constant 0 : i32
    %ne3A_29 = arith.cmpi ne, %arg0, %ne3A : i32
    %convert_element_type3A_30 = arith.extui %ne3A_29 : i1 to i32
    %cond3A_31 = arith.constant 0 : i32
    %cond3A_32 = arith.cmpi ne, %convert_element_type3A_30, %cond3A_31 : i32
    scf.if %cond3A_32 {
      %get3A_33 = arith.constant 0 : index
      %get3A_34 = arith.constant 0 : index
      %get3A_35 = vector.load %arg6[%get3A_33, %get3A_34] : memref<1x128xf32, #tpu.memory_space<vmem>>, vector<1x128xf32>
      %add3A_36 = arith.addf %get3A_35, %broadcast_in_dim3A_21 : vector<1x128xf32>
      %swap3A_37 = arith.constant 0 : index
      %swap3A_38 = arith.constant 0 : index
      %swap3A_39 = vector.load %arg6[%swap3A_37, %swap3A_38] : memref<1x128xf32, #tpu.memory_space<vmem>>, vector<1x128xf32>
      tpu.vector_store %arg6[%swap3A_37, %swap3A_38], %add3A_36 {strides = array<i32>} : memref<1x128xf32, #tpu.memory_space<vmem>>, vector<1x128xf32>,
      %get3A_40 = arith.constant 0 : index
      %get3A_41 = arith.constant 0 : index
      %get3A_42 = vector.load %arg7[%get3A_40, %get3A_41] : memref<1x128xf32, #tpu.memory_space<vmem>>, vector<1x128xf32>
      %add3A_43 = arith.addf %get3A_42, %broadcast_in_dim3A_26 : vector<1x128xf32>
      %swap3A_44 = arith.constant 0 : index
      %swap3A_45 = arith.constant 0 : index
      %swap3A_46 = vector.load %arg7[%swap3A_44, %swap3A_45] : memref<1x128xf32, #tpu.memory_space<vmem>>, vector<1x128xf32>
      tpu.vector_store %arg7[%swap3A_44, %swap3A_45], %add3A_43 {strides = array<i32>} : memref<1x128xf32, #tpu.memory_space<vmem>>, vector<1x128xf32>,
    } else {
    }
    return
  }
  func.func @transform_0(%arg0: i32) -> (i32, i32, i32) {
    %c0_i32 = arith.constant 0 : i32
    %c0_i32_0 = arith.constant 0 : i32
    %c0_i32_1 = arith.constant 0 : i32
    return %arg0, %c0_i32, %c0_i32_0 : i32, i32, i32
  }
  func.func @transform_1(%arg0: i32) -> (i32, i32) {
    %c0_i32 = arith.constant 0 : i32
    %c0_i32_0 = arith.constant 0 : i32
    return %arg0, %c0_i32 : i32, i32
  }
  func.func @transform_2(%arg0: i32) -> (i32, i32) {
    %c0_i32 = arith.constant 0 : i32
    %c0_i32_0 = arith.constant 0 : i32
    %c0_i32_1 = arith.constant 0 : i32
    return %c0_i32, %c0_i32_0 : i32, i32
  }
  func.func @transform_3(%arg0: i32) -> (i32, i32) {
    %c0_i32 = arith.constant 0 : i32
    %c0_i32_0 = arith.constant 0 : i32
    %c0_i32_1 = arith.constant 0 : i32
    return %c0_i32, %c0_i32_0 : i32, i32
  }
  func.func @transform_4(%arg0: i32) -> (i32, i32, i32) {
    %c0_i32 = arith.constant 0 : i32
    %c0_i32_0 = arith.constant 0 : i32
    %c0_i32_1 = arith.constant 0 : i32
    return %arg0, %c0_i32, %c0_i32_0 : i32, i32, i32
  }
  func.func @transform_5(%arg0: i32) -> (i32, i32) {
    %c0_i32 = arith.constant 0 : i32
    %c0_i32_0 = arith.constant 0 : i32
    %c0_i32_1 = arith.constant 0 : i32
    return %c0_i32, %c0_i32_0 : i32, i32
  }
  func.func @transform_6(%arg0: i32) -> (i32, i32) {
    %c0_i32 = arith.constant 0 : i32
    %c0_i32_0 = arith.constant 0 : i32
    %c0_i32_1 = arith.constant 0 : i32
    return %c0_i32, %c0_i32_0 : i32, i32
  }
}

module attributes {stable_mosaic.version = 14 : i64} {
  func.func @_l23_body(%arg0: i32, %arg1: memref<4096x128xf32, #tpu.memory_space<vmem>>, %arg2: memref<1x128xf32, #tpu.memory_space<vmem>>, %arg3: memref<1x128xf32, #tpu.memory_space<vmem>>, %arg4: memref<1x128xf32, #tpu.memory_space<vmem>>, %arg5: memref<1x128xf32, #tpu.memory_space<vmem>>, %arg6: memref<128x128xf32, #tpu.memory_space<vmem>>, %arg7: memref<1x128xf32, #tpu.memory_space<vmem>>, %arg8: memref<4096x128xf32, #tpu.memory_space<vmem>>, %arg9: memref<1x128xf32, #tpu.memory_space<vmem>>, %arg10: memref<1x128xf32, #tpu.memory_space<vmem>>) attributes {dimension_semantics = [#tpu.dimension_semantics<arbitrary>], iteration_bounds = array<i64: 16>, scalar_prefetch = 0 : i64, scratch_operands = 0 : i64, tpu.core_type = #tpu.core_type<tc>, window_params = [{transform_indices = @transform_0, window_bounds = array<i64: 4096, 128>}, {pipeline_mode = #tpu.pipeline_mode<synchronous>, transform_indices = @transform_1, window_bounds = array<i64: 1, 128>}, {pipeline_mode = #tpu.pipeline_mode<synchronous>, transform_indices = @transform_2, window_bounds = array<i64: 1, 128>}, {pipeline_mode = #tpu.pipeline_mode<synchronous>, transform_indices = @transform_3, window_bounds = array<i64: 1, 128>}, {pipeline_mode = #tpu.pipeline_mode<synchronous>, transform_indices = @transform_4, window_bounds = array<i64: 1, 128>}, {pipeline_mode = #tpu.pipeline_mode<synchronous>, transform_indices = @transform_5, window_bounds = array<i64: 128, 128>}, {pipeline_mode = #tpu.pipeline_mode<synchronous>, transform_indices = @transform_6, window_bounds = array<i64: 1, 128>}, {transform_indices = @transform_7, window_bounds = array<i64: 4096, 128>}, {pipeline_mode = #tpu.pipeline_mode<synchronous>, transform_indices = @transform_8, window_bounds = array<i64: 1, 128>}, {pipeline_mode = #tpu.pipeline_mode<synchronous>, transform_indices = @transform_9, window_bounds = array<i64: 1, 128>}]} {
    %get3A = arith.constant 0 : index
    %get3A_0 = arith.constant 0 : index
    %get3A_1 = vector.load %arg2[%get3A, %get3A_0] : memref<1x128xf32, #tpu.memory_space<vmem>>, vector<1x128xf32>
    %div3A = arith.constant 6.553600e+04 : f32
    %div3A_2 = vector.broadcast %div3A : f32 to vector<1x128xf32>
    %div3A_3 = arith.divf %get3A_1, %div3A_2 : vector<1x128xf32>
    %get3A_4 = arith.constant 0 : index
    %get3A_5 = arith.constant 0 : index
    %get3A_6 = vector.load %arg3[%get3A_4, %get3A_5] : memref<1x128xf32, #tpu.memory_space<vmem>>, vector<1x128xf32>
    %div3A_7 = arith.constant 6.553600e+04 : f32
    %div3A_8 = vector.broadcast %div3A_7 : f32 to vector<1x128xf32>
    %div3A_9 = arith.divf %get3A_6, %div3A_8 : vector<1x128xf32>
    %mul3A = arith.mulf %div3A_3, %div3A_3 : vector<1x128xf32>
    %sub3A = arith.subf %div3A_9, %mul3A : vector<1x128xf32>
    %add3A = arith.constant 9.99999974E-6 : f32
    %add3A_10 = vector.broadcast %add3A : f32 to vector<1x128xf32>
    %add3A_11 = arith.addf %sub3A, %add3A_10 : vector<1x128xf32>
    %sqrt3A = math.sqrt %add3A_11 : vector<1x128xf32>
    %div3A_12 = arith.constant 1.000000e+00 : f32
    %div3A_13 = vector.broadcast %div3A_12 : f32 to vector<1x128xf32>
    %div3A_14 = arith.divf %div3A_13, %sqrt3A : vector<1x128xf32>
    %get3A_15 = arith.constant 0 : index
    %get3A_16 = arith.constant 0 : index
    %get3A_17 = vector.load %arg4[%get3A_15, %get3A_16] : memref<1x128xf32, #tpu.memory_space<vmem>>, vector<1x128xf32>
    %mul3A_18 = arith.mulf %get3A_17, %div3A_14 : vector<1x128xf32>
    %get3A_19 = arith.constant 0 : index
    %get3A_20 = arith.constant 0 : index
    %get3A_21 = vector.load %arg5[%get3A_19, %get3A_20] : memref<1x128xf32, #tpu.memory_space<vmem>>, vector<1x128xf32>
    %mul3A_22 = arith.mulf %div3A_3, %mul3A_18 : vector<1x128xf32>
    %sub3A_23 = arith.subf %get3A_21, %mul3A_22 : vector<1x128xf32>
    %get3A_24 = arith.constant 0 : index
    %get3A_25 = arith.constant 0 : index
    %get3A_26 = vector.load %arg1[%get3A_24, %get3A_25] : memref<4096x128xf32, #tpu.memory_space<vmem>>, vector<4096x128xf32>
    %mul3A_27 = vector.broadcast %mul3A_18 : vector<1x128xf32> to vector<4096x128xf32>
    %mul3A_28 = arith.mulf %get3A_26, %mul3A_27 : vector<4096x128xf32>
    %add3A_29 = vector.broadcast %sub3A_23 : vector<1x128xf32> to vector<4096x128xf32>
    %add3A_30 = arith.addf %mul3A_28, %add3A_29 : vector<4096x128xf32>
    %max3A = arith.constant 0.000000e+00 : f32
    %max3A_31 = vector.broadcast %max3A : f32 to vector<4096x128xf32>
    %max3A_32 = arith.maximumf %add3A_30, %max3A_31 : vector<4096x128xf32>
    %get3A_33 = arith.constant 0 : index
    %get3A_34 = arith.constant 0 : index
    %get3A_35 = vector.load %arg6[%get3A_33, %get3A_34] : memref<128x128xf32, #tpu.memory_space<vmem>>, vector<128x128xf32>
    %dot_general3A = arith.constant dense<0.000000e+00> : vector<4096x128xf32>
    %dot_general3A_36 = tpu.matmul %max3A_32, %get3A_35, %dot_general3A {dimension_numbers = #tpu.dot_dimension_numbers<[1], [0], [0], [1], [0, 0, 1, 1], [], []>, transpose_lhs_hint = false} : vector<4096x128xf32>, vector<128x128xf32>, vector<4096x128xf32> -> vector<4096x128xf32>
    %get3A_37 = arith.constant 0 : index
    %get3A_38 = arith.constant 0 : index
    %get3A_39 = vector.load %arg7[%get3A_37, %get3A_38] : memref<1x128xf32, #tpu.memory_space<vmem>>, vector<1x128xf32>
    %add3A_40 = vector.broadcast %get3A_39 : vector<1x128xf32> to vector<4096x128xf32>
    %add3A_41 = arith.addf %dot_general3A_36, %add3A_40 : vector<4096x128xf32>
    %swap3A = arith.constant 0 : index
    %swap3A_42 = arith.constant 0 : index
    %swap3A_43 = vector.load %arg8[%swap3A, %swap3A_42] : memref<4096x128xf32, #tpu.memory_space<vmem>>, vector<4096x128xf32>
    tpu.vector_store %arg8[%swap3A, %swap3A_42], %add3A_41 {strides = array<i32>} : memref<4096x128xf32, #tpu.memory_space<vmem>>, vector<4096x128xf32>,
    %reduce_sum3A = arith.constant dense<0.000000e+00> : vector<128xf32>
    %reduce_sum3A_44 = vector.multi_reduction <add>, %add3A_41, %reduce_sum3A [0] : vector<4096x128xf32> to vector<128xf32>
    %broadcast_in_dim3A = vector.shape_cast %reduce_sum3A_44 : vector<128xf32> to vector<1x128xf32>
    %mul3A_45 = arith.mulf %add3A_41, %add3A_41 : vector<4096x128xf32>
    %reduce_sum3A_46 = arith.constant dense<0.000000e+00> : vector<128xf32>
    %reduce_sum3A_47 = vector.multi_reduction <add>, %mul3A_45, %reduce_sum3A_46 [0] : vector<4096x128xf32> to vector<128xf32>
    %broadcast_in_dim3A_48 = vector.shape_cast %reduce_sum3A_47 : vector<128xf32> to vector<1x128xf32>
    %eq3A = arith.constant 0 : i32
    %eq3A_49 = arith.cmpi eq, %arg0, %eq3A : i32
    %convert_element_type3A = arith.extui %eq3A_49 : i1 to i32
    %cond3A = arith.constant 0 : i32
    %cond3A_50 = arith.cmpi ne, %convert_element_type3A, %cond3A : i32
    scf.if %cond3A_50 {
      %swap3A_55 = arith.constant 0 : index
      %swap3A_56 = arith.constant 0 : index
      %swap3A_57 = vector.load %arg9[%swap3A_55, %swap3A_56] : memref<1x128xf32, #tpu.memory_space<vmem>>, vector<1x128xf32>
      tpu.vector_store %arg9[%swap3A_55, %swap3A_56], %broadcast_in_dim3A {strides = array<i32>} : memref<1x128xf32, #tpu.memory_space<vmem>>, vector<1x128xf32>,
      %swap3A_58 = arith.constant 0 : index
      %swap3A_59 = arith.constant 0 : index
      %swap3A_60 = vector.load %arg10[%swap3A_58, %swap3A_59] : memref<1x128xf32, #tpu.memory_space<vmem>>, vector<1x128xf32>
      tpu.vector_store %arg10[%swap3A_58, %swap3A_59], %broadcast_in_dim3A_48 {strides = array<i32>} : memref<1x128xf32, #tpu.memory_space<vmem>>, vector<1x128xf32>,
    } else {
    }
    %ne3A = arith.constant 0 : i32
    %ne3A_51 = arith.cmpi ne, %arg0, %ne3A : i32
    %convert_element_type3A_52 = arith.extui %ne3A_51 : i1 to i32
    %cond3A_53 = arith.constant 0 : i32
    %cond3A_54 = arith.cmpi ne, %convert_element_type3A_52, %cond3A_53 : i32
    scf.if %cond3A_54 {
      %get3A_55 = arith.constant 0 : index
      %get3A_56 = arith.constant 0 : index
      %get3A_57 = vector.load %arg9[%get3A_55, %get3A_56] : memref<1x128xf32, #tpu.memory_space<vmem>>, vector<1x128xf32>
      %add3A_58 = arith.addf %get3A_57, %broadcast_in_dim3A : vector<1x128xf32>
      %swap3A_59 = arith.constant 0 : index
      %swap3A_60 = arith.constant 0 : index
      %swap3A_61 = vector.load %arg9[%swap3A_59, %swap3A_60] : memref<1x128xf32, #tpu.memory_space<vmem>>, vector<1x128xf32>
      tpu.vector_store %arg9[%swap3A_59, %swap3A_60], %add3A_58 {strides = array<i32>} : memref<1x128xf32, #tpu.memory_space<vmem>>, vector<1x128xf32>,
      %get3A_62 = arith.constant 0 : index
      %get3A_63 = arith.constant 0 : index
      %get3A_64 = vector.load %arg10[%get3A_62, %get3A_63] : memref<1x128xf32, #tpu.memory_space<vmem>>, vector<1x128xf32>
      %add3A_65 = arith.addf %get3A_64, %broadcast_in_dim3A_48 : vector<1x128xf32>
      %swap3A_66 = arith.constant 0 : index
      %swap3A_67 = arith.constant 0 : index
      %swap3A_68 = vector.load %arg10[%swap3A_66, %swap3A_67] : memref<1x128xf32, #tpu.memory_space<vmem>>, vector<1x128xf32>
      tpu.vector_store %arg10[%swap3A_66, %swap3A_67], %add3A_65 {strides = array<i32>} : memref<1x128xf32, #tpu.memory_space<vmem>>, vector<1x128xf32>,
    } else {
    }
    return
  }
  func.func @transform_0(%arg0: i32) -> (i32, i32) {
    %c0_i32 = arith.constant 0 : i32
    %c0_i32_0 = arith.constant 0 : i32
    return %arg0, %c0_i32 : i32, i32
  }
  func.func @transform_1(%arg0: i32) -> (i32, i32) {
    %c0_i32 = arith.constant 0 : i32
    %c0_i32_0 = arith.constant 0 : i32
    %c0_i32_1 = arith.constant 0 : i32
    return %c0_i32, %c0_i32_0 : i32, i32
  }
  func.func @transform_2(%arg0: i32) -> (i32, i32) {
    %c0_i32 = arith.constant 0 : i32
    %c0_i32_0 = arith.constant 0 : i32
    %c0_i32_1 = arith.constant 0 : i32
    return %c0_i32, %c0_i32_0 : i32, i32
  }
  func.func @transform_3(%arg0: i32) -> (i32, i32) {
    %c0_i32 = arith.constant 0 : i32
    %c0_i32_0 = arith.constant 0 : i32
    %c0_i32_1 = arith.constant 0 : i32
    return %c0_i32, %c0_i32_0 : i32, i32
  }
  func.func @transform_4(%arg0: i32) -> (i32, i32) {
    %c0_i32 = arith.constant 0 : i32
    %c0_i32_0 = arith.constant 0 : i32
    %c0_i32_1 = arith.constant 0 : i32
    return %c0_i32, %c0_i32_0 : i32, i32
  }
  func.func @transform_5(%arg0: i32) -> (i32, i32) {
    %c0_i32 = arith.constant 0 : i32
    %c0_i32_0 = arith.constant 0 : i32
    %c0_i32_1 = arith.constant 0 : i32
    return %c0_i32, %c0_i32_0 : i32, i32
  }
  func.func @transform_6(%arg0: i32) -> (i32, i32) {
    %c0_i32 = arith.constant 0 : i32
    %c0_i32_0 = arith.constant 0 : i32
    %c0_i32_1 = arith.constant 0 : i32
    return %c0_i32, %c0_i32_0 : i32, i32
  }
  func.func @transform_7(%arg0: i32) -> (i32, i32) {
    %c0_i32 = arith.constant 0 : i32
    %c0_i32_0 = arith.constant 0 : i32
    return %arg0, %c0_i32 : i32, i32
  }
  func.func @transform_8(%arg0: i32) -> (i32, i32) {
    %c0_i32 = arith.constant 0 : i32
    %c0_i32_0 = arith.constant 0 : i32
    %c0_i32_1 = arith.constant 0 : i32
    return %c0_i32, %c0_i32_0 : i32, i32
  }
  func.func @transform_9(%arg0: i32) -> (i32, i32) {
    %c0_i32 = arith.constant 0 : i32
    %c0_i32_0 = arith.constant 0 : i32
    %c0_i32_1 = arith.constant 0 : i32
    return %c0_i32, %c0_i32_0 : i32, i32
  }
}

module attributes {stable_mosaic.version = 14 : i64} {
  func.func @_l23_body(%arg0: i32, %arg1: memref<4096x128xf32, #tpu.memory_space<vmem>>, %arg2: memref<1x128xf32, #tpu.memory_space<vmem>>, %arg3: memref<1x128xf32, #tpu.memory_space<vmem>>, %arg4: memref<1x128xf32, #tpu.memory_space<vmem>>, %arg5: memref<1x128xf32, #tpu.memory_space<vmem>>, %arg6: memref<128x256xf32, #tpu.memory_space<vmem>>, %arg7: memref<1x256xf32, #tpu.memory_space<vmem>>, %arg8: memref<4096x256xf32, #tpu.memory_space<vmem>>, %arg9: memref<1x256xf32, #tpu.memory_space<vmem>>, %arg10: memref<1x256xf32, #tpu.memory_space<vmem>>) attributes {dimension_semantics = [#tpu.dimension_semantics<arbitrary>], iteration_bounds = array<i64: 16>, scalar_prefetch = 0 : i64, scratch_operands = 0 : i64, tpu.core_type = #tpu.core_type<tc>, window_params = [{transform_indices = @transform_0, window_bounds = array<i64: 4096, 128>}, {pipeline_mode = #tpu.pipeline_mode<synchronous>, transform_indices = @transform_1, window_bounds = array<i64: 1, 128>}, {pipeline_mode = #tpu.pipeline_mode<synchronous>, transform_indices = @transform_2, window_bounds = array<i64: 1, 128>}, {pipeline_mode = #tpu.pipeline_mode<synchronous>, transform_indices = @transform_3, window_bounds = array<i64: 1, 128>}, {pipeline_mode = #tpu.pipeline_mode<synchronous>, transform_indices = @transform_4, window_bounds = array<i64: 1, 128>}, {pipeline_mode = #tpu.pipeline_mode<synchronous>, transform_indices = @transform_5, window_bounds = array<i64: 128, 256>}, {pipeline_mode = #tpu.pipeline_mode<synchronous>, transform_indices = @transform_6, window_bounds = array<i64: 1, 256>}, {transform_indices = @transform_7, window_bounds = array<i64: 4096, 256>}, {pipeline_mode = #tpu.pipeline_mode<synchronous>, transform_indices = @transform_8, window_bounds = array<i64: 1, 256>}, {pipeline_mode = #tpu.pipeline_mode<synchronous>, transform_indices = @transform_9, window_bounds = array<i64: 1, 256>}]} {
    %get3A = arith.constant 0 : index
    %get3A_0 = arith.constant 0 : index
    %get3A_1 = vector.load %arg2[%get3A, %get3A_0] : memref<1x128xf32, #tpu.memory_space<vmem>>, vector<1x128xf32>
    %div3A = arith.constant 6.553600e+04 : f32
    %div3A_2 = vector.broadcast %div3A : f32 to vector<1x128xf32>
    %div3A_3 = arith.divf %get3A_1, %div3A_2 : vector<1x128xf32>
    %get3A_4 = arith.constant 0 : index
    %get3A_5 = arith.constant 0 : index
    %get3A_6 = vector.load %arg3[%get3A_4, %get3A_5] : memref<1x128xf32, #tpu.memory_space<vmem>>, vector<1x128xf32>
    %div3A_7 = arith.constant 6.553600e+04 : f32
    %div3A_8 = vector.broadcast %div3A_7 : f32 to vector<1x128xf32>
    %div3A_9 = arith.divf %get3A_6, %div3A_8 : vector<1x128xf32>
    %mul3A = arith.mulf %div3A_3, %div3A_3 : vector<1x128xf32>
    %sub3A = arith.subf %div3A_9, %mul3A : vector<1x128xf32>
    %add3A = arith.constant 9.99999974E-6 : f32
    %add3A_10 = vector.broadcast %add3A : f32 to vector<1x128xf32>
    %add3A_11 = arith.addf %sub3A, %add3A_10 : vector<1x128xf32>
    %sqrt3A = math.sqrt %add3A_11 : vector<1x128xf32>
    %div3A_12 = arith.constant 1.000000e+00 : f32
    %div3A_13 = vector.broadcast %div3A_12 : f32 to vector<1x128xf32>
    %div3A_14 = arith.divf %div3A_13, %sqrt3A : vector<1x128xf32>
    %get3A_15 = arith.constant 0 : index
    %get3A_16 = arith.constant 0 : index
    %get3A_17 = vector.load %arg4[%get3A_15, %get3A_16] : memref<1x128xf32, #tpu.memory_space<vmem>>, vector<1x128xf32>
    %mul3A_18 = arith.mulf %get3A_17, %div3A_14 : vector<1x128xf32>
    %get3A_19 = arith.constant 0 : index
    %get3A_20 = arith.constant 0 : index
    %get3A_21 = vector.load %arg5[%get3A_19, %get3A_20] : memref<1x128xf32, #tpu.memory_space<vmem>>, vector<1x128xf32>
    %mul3A_22 = arith.mulf %div3A_3, %mul3A_18 : vector<1x128xf32>
    %sub3A_23 = arith.subf %get3A_21, %mul3A_22 : vector<1x128xf32>
    %get3A_24 = arith.constant 0 : index
    %get3A_25 = arith.constant 0 : index
    %get3A_26 = vector.load %arg1[%get3A_24, %get3A_25] : memref<4096x128xf32, #tpu.memory_space<vmem>>, vector<4096x128xf32>
    %mul3A_27 = vector.broadcast %mul3A_18 : vector<1x128xf32> to vector<4096x128xf32>
    %mul3A_28 = arith.mulf %get3A_26, %mul3A_27 : vector<4096x128xf32>
    %add3A_29 = vector.broadcast %sub3A_23 : vector<1x128xf32> to vector<4096x128xf32>
    %add3A_30 = arith.addf %mul3A_28, %add3A_29 : vector<4096x128xf32>
    %max3A = arith.constant 0.000000e+00 : f32
    %max3A_31 = vector.broadcast %max3A : f32 to vector<4096x128xf32>
    %max3A_32 = arith.maximumf %add3A_30, %max3A_31 : vector<4096x128xf32>
    %get3A_33 = arith.constant 0 : index
    %get3A_34 = arith.constant 0 : index
    %get3A_35 = vector.load %arg6[%get3A_33, %get3A_34] : memref<128x256xf32, #tpu.memory_space<vmem>>, vector<128x256xf32>
    %dot_general3A = arith.constant dense<0.000000e+00> : vector<4096x256xf32>
    %dot_general3A_36 = tpu.matmul %max3A_32, %get3A_35, %dot_general3A {dimension_numbers = #tpu.dot_dimension_numbers<[1], [0], [0], [1], [0, 0, 1, 1], [], []>, transpose_lhs_hint = false} : vector<4096x128xf32>, vector<128x256xf32>, vector<4096x256xf32> -> vector<4096x256xf32>
    %get3A_37 = arith.constant 0 : index
    %get3A_38 = arith.constant 0 : index
    %get3A_39 = vector.load %arg7[%get3A_37, %get3A_38] : memref<1x256xf32, #tpu.memory_space<vmem>>, vector<1x256xf32>
    %add3A_40 = vector.broadcast %get3A_39 : vector<1x256xf32> to vector<4096x256xf32>
    %add3A_41 = arith.addf %dot_general3A_36, %add3A_40 : vector<4096x256xf32>
    %swap3A = arith.constant 0 : index
    %swap3A_42 = arith.constant 0 : index
    %swap3A_43 = vector.load %arg8[%swap3A, %swap3A_42] : memref<4096x256xf32, #tpu.memory_space<vmem>>, vector<4096x256xf32>
    tpu.vector_store %arg8[%swap3A, %swap3A_42], %add3A_41 {strides = array<i32>} : memref<4096x256xf32, #tpu.memory_space<vmem>>, vector<4096x256xf32>,
    %reduce_sum3A = arith.constant dense<0.000000e+00> : vector<256xf32>
    %reduce_sum3A_44 = vector.multi_reduction <add>, %add3A_41, %reduce_sum3A [0] : vector<4096x256xf32> to vector<256xf32>
    %broadcast_in_dim3A = vector.shape_cast %reduce_sum3A_44 : vector<256xf32> to vector<1x256xf32>
    %mul3A_45 = arith.mulf %add3A_41, %add3A_41 : vector<4096x256xf32>
    %reduce_sum3A_46 = arith.constant dense<0.000000e+00> : vector<256xf32>
    %reduce_sum3A_47 = vector.multi_reduction <add>, %mul3A_45, %reduce_sum3A_46 [0] : vector<4096x256xf32> to vector<256xf32>
    %broadcast_in_dim3A_48 = vector.shape_cast %reduce_sum3A_47 : vector<256xf32> to vector<1x256xf32>
    %eq3A = arith.constant 0 : i32
    %eq3A_49 = arith.cmpi eq, %arg0, %eq3A : i32
    %convert_element_type3A = arith.extui %eq3A_49 : i1 to i32
    %cond3A = arith.constant 0 : i32
    %cond3A_50 = arith.cmpi ne, %convert_element_type3A, %cond3A : i32
    scf.if %cond3A_50 {
      %swap3A_55 = arith.constant 0 : index
      %swap3A_56 = arith.constant 0 : index
      %swap3A_57 = vector.load %arg9[%swap3A_55, %swap3A_56] : memref<1x256xf32, #tpu.memory_space<vmem>>, vector<1x256xf32>
      tpu.vector_store %arg9[%swap3A_55, %swap3A_56], %broadcast_in_dim3A {strides = array<i32>} : memref<1x256xf32, #tpu.memory_space<vmem>>, vector<1x256xf32>,
      %swap3A_58 = arith.constant 0 : index
      %swap3A_59 = arith.constant 0 : index
      %swap3A_60 = vector.load %arg10[%swap3A_58, %swap3A_59] : memref<1x256xf32, #tpu.memory_space<vmem>>, vector<1x256xf32>
      tpu.vector_store %arg10[%swap3A_58, %swap3A_59], %broadcast_in_dim3A_48 {strides = array<i32>} : memref<1x256xf32, #tpu.memory_space<vmem>>, vector<1x256xf32>,
    } else {
    }
    %ne3A = arith.constant 0 : i32
    %ne3A_51 = arith.cmpi ne, %arg0, %ne3A : i32
    %convert_element_type3A_52 = arith.extui %ne3A_51 : i1 to i32
    %cond3A_53 = arith.constant 0 : i32
    %cond3A_54 = arith.cmpi ne, %convert_element_type3A_52, %cond3A_53 : i32
    scf.if %cond3A_54 {
      %get3A_55 = arith.constant 0 : index
      %get3A_56 = arith.constant 0 : index
      %get3A_57 = vector.load %arg9[%get3A_55, %get3A_56] : memref<1x256xf32, #tpu.memory_space<vmem>>, vector<1x256xf32>
      %add3A_58 = arith.addf %get3A_57, %broadcast_in_dim3A : vector<1x256xf32>
      %swap3A_59 = arith.constant 0 : index
      %swap3A_60 = arith.constant 0 : index
      %swap3A_61 = vector.load %arg9[%swap3A_59, %swap3A_60] : memref<1x256xf32, #tpu.memory_space<vmem>>, vector<1x256xf32>
      tpu.vector_store %arg9[%swap3A_59, %swap3A_60], %add3A_58 {strides = array<i32>} : memref<1x256xf32, #tpu.memory_space<vmem>>, vector<1x256xf32>,
      %get3A_62 = arith.constant 0 : index
      %get3A_63 = arith.constant 0 : index
      %get3A_64 = vector.load %arg10[%get3A_62, %get3A_63] : memref<1x256xf32, #tpu.memory_space<vmem>>, vector<1x256xf32>
      %add3A_65 = arith.addf %get3A_64, %broadcast_in_dim3A_48 : vector<1x256xf32>
      %swap3A_66 = arith.constant 0 : index
      %swap3A_67 = arith.constant 0 : index
      %swap3A_68 = vector.load %arg10[%swap3A_66, %swap3A_67] : memref<1x256xf32, #tpu.memory_space<vmem>>, vector<1x256xf32>
      tpu.vector_store %arg10[%swap3A_66, %swap3A_67], %add3A_65 {strides = array<i32>} : memref<1x256xf32, #tpu.memory_space<vmem>>, vector<1x256xf32>,
    } else {
    }
    return
  }
  func.func @transform_0(%arg0: i32) -> (i32, i32) {
    %c0_i32 = arith.constant 0 : i32
    %c0_i32_0 = arith.constant 0 : i32
    return %arg0, %c0_i32 : i32, i32
  }
  func.func @transform_1(%arg0: i32) -> (i32, i32) {
    %c0_i32 = arith.constant 0 : i32
    %c0_i32_0 = arith.constant 0 : i32
    %c0_i32_1 = arith.constant 0 : i32
    return %c0_i32, %c0_i32_0 : i32, i32
  }
  func.func @transform_2(%arg0: i32) -> (i32, i32) {
    %c0_i32 = arith.constant 0 : i32
    %c0_i32_0 = arith.constant 0 : i32
    %c0_i32_1 = arith.constant 0 : i32
    return %c0_i32, %c0_i32_0 : i32, i32
  }
  func.func @transform_3(%arg0: i32) -> (i32, i32) {
    %c0_i32 = arith.constant 0 : i32
    %c0_i32_0 = arith.constant 0 : i32
    %c0_i32_1 = arith.constant 0 : i32
    return %c0_i32, %c0_i32_0 : i32, i32
  }
  func.func @transform_4(%arg0: i32) -> (i32, i32) {
    %c0_i32 = arith.constant 0 : i32
    %c0_i32_0 = arith.constant 0 : i32
    %c0_i32_1 = arith.constant 0 : i32
    return %c0_i32, %c0_i32_0 : i32, i32
  }
  func.func @transform_5(%arg0: i32) -> (i32, i32) {
    %c0_i32 = arith.constant 0 : i32
    %c0_i32_0 = arith.constant 0 : i32
    %c0_i32_1 = arith.constant 0 : i32
    return %c0_i32, %c0_i32_0 : i32, i32
  }
  func.func @transform_6(%arg0: i32) -> (i32, i32) {
    %c0_i32 = arith.constant 0 : i32
    %c0_i32_0 = arith.constant 0 : i32
    %c0_i32_1 = arith.constant 0 : i32
    return %c0_i32, %c0_i32_0 : i32, i32
  }
  func.func @transform_7(%arg0: i32) -> (i32, i32) {
    %c0_i32 = arith.constant 0 : i32
    %c0_i32_0 = arith.constant 0 : i32
    return %arg0, %c0_i32 : i32, i32
  }
  func.func @transform_8(%arg0: i32) -> (i32, i32) {
    %c0_i32 = arith.constant 0 : i32
    %c0_i32_0 = arith.constant 0 : i32
    %c0_i32_1 = arith.constant 0 : i32
    return %c0_i32, %c0_i32_0 : i32, i32
  }
  func.func @transform_9(%arg0: i32) -> (i32, i32) {
    %c0_i32 = arith.constant 0 : i32
    %c0_i32_0 = arith.constant 0 : i32
    %c0_i32_1 = arith.constant 0 : i32
    return %c0_i32, %c0_i32_0 : i32, i32
  }
}

module attributes {stable_mosaic.version = 14 : i64} {
  func.func @_l4_body(%arg0: i32, %arg1: i32, %arg2: memref<1x256x32x256xf32, #tpu.memory_space<vmem>>, %arg3: memref<1x256xf32, #tpu.memory_space<vmem>>, %arg4: memref<1x256xf32, #tpu.memory_space<vmem>>, %arg5: memref<1x256xf32, #tpu.memory_space<vmem>>, %arg6: memref<1x256xf32, #tpu.memory_space<vmem>>, %arg7: memref<1x256x256xf32, #tpu.memory_space<vmem>>) attributes {dimension_semantics = [#tpu.dimension_semantics<arbitrary>, #tpu.dimension_semantics<arbitrary>], iteration_bounds = array<i64: 2, 4>, scalar_prefetch = 0 : i64, scratch_operands = 0 : i64, tpu.core_type = #tpu.core_type<tc>, window_params = [{transform_indices = @transform_0, window_bounds = array<i64: 1, 256, 32, 256>}, {pipeline_mode = #tpu.pipeline_mode<synchronous>, transform_indices = @transform_1, window_bounds = array<i64: 1, 256>}, {pipeline_mode = #tpu.pipeline_mode<synchronous>, transform_indices = @transform_2, window_bounds = array<i64: 1, 256>}, {pipeline_mode = #tpu.pipeline_mode<synchronous>, transform_indices = @transform_3, window_bounds = array<i64: 1, 256>}, {pipeline_mode = #tpu.pipeline_mode<synchronous>, transform_indices = @transform_4, window_bounds = array<i64: 1, 256>}, {transform_indices = @transform_5, window_bounds = array<i64: 1, 256, 256>}]} {
    %get3A = arith.constant 0 : index
    %get3A_0 = arith.constant 0 : index
    %get3A_1 = vector.load %arg3[%get3A, %get3A_0] : memref<1x256xf32, #tpu.memory_space<vmem>>, vector<1x256xf32>
    %div3A = arith.constant 6.553600e+04 : f32
    %div3A_2 = vector.broadcast %div3A : f32 to vector<1x256xf32>
    %div3A_3 = arith.divf %get3A_1, %div3A_2 : vector<1x256xf32>
    %get3A_4 = arith.constant 0 : index
    %get3A_5 = arith.constant 0 : index
    %get3A_6 = vector.load %arg4[%get3A_4, %get3A_5] : memref<1x256xf32, #tpu.memory_space<vmem>>, vector<1x256xf32>
    %div3A_7 = arith.constant 6.553600e+04 : f32
    %div3A_8 = vector.broadcast %div3A_7 : f32 to vector<1x256xf32>
    %div3A_9 = arith.divf %get3A_6, %div3A_8 : vector<1x256xf32>
    %mul3A = arith.mulf %div3A_3, %div3A_3 : vector<1x256xf32>
    %sub3A = arith.subf %div3A_9, %mul3A : vector<1x256xf32>
    %add3A = arith.constant 9.99999974E-6 : f32
    %add3A_10 = vector.broadcast %add3A : f32 to vector<1x256xf32>
    %add3A_11 = arith.addf %sub3A, %add3A_10 : vector<1x256xf32>
    %sqrt3A = math.sqrt %add3A_11 : vector<1x256xf32>
    %div3A_12 = arith.constant 1.000000e+00 : f32
    %div3A_13 = vector.broadcast %div3A_12 : f32 to vector<1x256xf32>
    %div3A_14 = arith.divf %div3A_13, %sqrt3A : vector<1x256xf32>
    %get3A_15 = arith.constant 0 : index
    %get3A_16 = arith.constant 0 : index
    %get3A_17 = vector.load %arg5[%get3A_15, %get3A_16] : memref<1x256xf32, #tpu.memory_space<vmem>>, vector<1x256xf32>
    %mul3A_18 = arith.mulf %get3A_17, %div3A_14 : vector<1x256xf32>
    %broadcast_in_dim3A = vector.shape_cast %mul3A_18 : vector<1x256xf32> to vector<1x1x256xf32>
    %get3A_19 = arith.constant 0 : index
    %get3A_20 = arith.constant 0 : index
    %get3A_21 = vector.load %arg6[%get3A_19, %get3A_20] : memref<1x256xf32, #tpu.memory_space<vmem>>, vector<1x256xf32>
    %get3A_22 = arith.constant 0 : index
    %get3A_23 = arith.constant 0 : index
    %get3A_24 = vector.load %arg5[%get3A_22, %get3A_23] : memref<1x256xf32, #tpu.memory_space<vmem>>, vector<1x256xf32>
    %mul3A_25 = arith.mulf %get3A_24, %div3A_14 : vector<1x256xf32>
    %mul3A_26 = arith.mulf %div3A_3, %mul3A_25 : vector<1x256xf32>
    %sub3A_27 = arith.subf %get3A_21, %mul3A_26 : vector<1x256xf32>
    %broadcast_in_dim3A_28 = vector.shape_cast %sub3A_27 : vector<1x256xf32> to vector<1x1x256xf32>
    %get3A_29 = arith.constant 0 : index
    %get3A_30 = arith.constant 0 : index
    %get3A_31 = arith.constant 0 : index
    %get3A_32 = arith.constant 0 : index
    %get3A_33 = vector.load %arg2[%get3A_29, %get3A_30, %get3A_31, %get3A_32] : memref<1x256x32x256xf32, #tpu.memory_space<vmem>>, vector<1x256x32x256xf32>
    %get3A_34 = vector.shape_cast %get3A_33 : vector<1x256x32x256xf32> to vector<256x32x256xf32>
    %mul3A_35 = vector.broadcast %broadcast_in_dim3A : vector<1x1x256xf32> to vector<256x32x256xf32>
    %mul3A_36 = arith.mulf %get3A_34, %mul3A_35 : vector<256x32x256xf32>
    %add3A_37 = vector.broadcast %broadcast_in_dim3A_28 : vector<1x1x256xf32> to vector<256x32x256xf32>
    %add3A_38 = arith.addf %mul3A_36, %add3A_37 : vector<256x32x256xf32>
    %max3A = arith.constant 0.000000e+00 : f32
    %max3A_39 = vector.broadcast %max3A : f32 to vector<256x32x256xf32>
    %max3A_40 = arith.maximumf %add3A_38, %max3A_39 : vector<256x32x256xf32>
    %reduce_max3A = arith.constant dense<0xFF800000> : vector<256x256xf32>
    %reduce_max3A_41 = vector.multi_reduction <maximumf>, %max3A_40, %reduce_max3A [1] : vector<256x32x256xf32> to vector<256x256xf32>
    %transpose3A = tpu.transpose %reduce_max3A_41, [1, 0] : vector<256x256xf32> -> vector<256x256xf32>
    %swap3A = arith.constant 0 : index
    %swap3A_42 = arith.constant 0 : index
    %swap3A_43 = arith.constant 0 : index
    %swap3A_44 = vector.load %arg7[%swap3A, %swap3A_42, %swap3A_43] : memref<1x256x256xf32, #tpu.memory_space<vmem>>, vector<1x256x256xf32>
    %swap3A_45 = vector.shape_cast %swap3A_44 : vector<1x256x256xf32> to vector<256x256xf32>
    %swap3A_46 = vector.shape_cast %transpose3A : vector<256x256xf32> to vector<1x256x256xf32>
    tpu.vector_store %arg7[%swap3A, %swap3A_42, %swap3A_43], %swap3A_46 {strides = array<i32>} : memref<1x256x256xf32, #tpu.memory_space<vmem>>, vector<1x256x256xf32>,
    return
  }
  func.func @transform_0(%arg0: i32, %arg1: i32) -> (i32, i32, i32, i32) {
    %c0_i32 = arith.constant 0 : i32
    %c0_i32_0 = arith.constant 0 : i32
    %c0_i32_1 = arith.constant 0 : i32
    return %arg0, %arg1, %c0_i32, %c0_i32_0 : i32, i32, i32, i32
  }
  func.func @transform_1(%arg0: i32, %arg1: i32) -> (i32, i32) {
    %c0_i32 = arith.constant 0 : i32
    %c0_i32_0 = arith.constant 0 : i32
    %c0_i32_1 = arith.constant 0 : i32
    return %c0_i32, %c0_i32_0 : i32, i32
  }
  func.func @transform_2(%arg0: i32, %arg1: i32) -> (i32, i32) {
    %c0_i32 = arith.constant 0 : i32
    %c0_i32_0 = arith.constant 0 : i32
    %c0_i32_1 = arith.constant 0 : i32
    return %c0_i32, %c0_i32_0 : i32, i32
  }
  func.func @transform_3(%arg0: i32, %arg1: i32) -> (i32, i32) {
    %c0_i32 = arith.constant 0 : i32
    %c0_i32_0 = arith.constant 0 : i32
    %c0_i32_1 = arith.constant 0 : i32
    return %c0_i32, %c0_i32_0 : i32, i32
  }
  func.func @transform_4(%arg0: i32, %arg1: i32) -> (i32, i32) {
    %c0_i32 = arith.constant 0 : i32
    %c0_i32_0 = arith.constant 0 : i32
    %c0_i32_1 = arith.constant 0 : i32
    return %c0_i32, %c0_i32_0 : i32, i32
  }
  func.func @transform_5(%arg0: i32, %arg1: i32) -> (i32, i32, i32) {
    %c0_i32 = arith.constant 0 : i32
    %c0_i32_0 = arith.constant 0 : i32
    return %arg0, %c0_i32, %arg1 : i32, i32, i32
  }
}

</mosaic_0001>

<sc_bundles>
// kernel: kernel.10.cloned.1.call-start
scs
__scs_entry_jumppad:
0x0: {  	(pc) =	sbr.rel $0x88, $3  }
0x1: {  	(tag) =	ssettag $0x0;
	lr =	simm.s32 $0x1  }
0x2: {  	[smem:$0x3F93] =	sst lr;
	_ =	strace $0xD0000000  }
0x3: {  	_ = 	snop  }
0x4: {  	_ = 	snop  }
0x5: {  	_ = 	snop  }
0x6: {  	_ = 	snop  }
0x7: {  	_ = 	snop  }
__scs_overlays_trampoline_lowered:
0x8: {  	[smem:$0x3FA2] =	sst s0  }
0x9: {  	[smem:$0x3FA3] =	sst s1  }
0xa: {  	[smem:$0x3FA4] =	sst s2  }
0xb: {  	[smem:$0x3FA5] =	sst s3  }
0xc: {  	[smem:$0x3FA6] =	sst s4  }
0xd: {  	[smem:$0x3FA7] =	sst s5  }
0xe: {  	[smem:$0x3FA8] =	sst s6  }
0xf: {  	[smem:$0x3FA9] =	sst s7  }
0x10: {  	[smem:$0x3FAA] =	sst s8  }
0x11: {  	[smem:$0x3FAB] =	sst s9;
	s0 =	simm.s32 @!p0 $0x0  }
0x12: {  	s1 =	sld [smem:$0x3F91];
	s0 =	simm.s32 @p0 $0x1  }
0x13: {  	[smem:$0x3FAC] =	sst s0;
	s0 =	simm.s32 @!p1 $0x0  }
0x14: {  	s2 =	sld [smem:$0x3F90];
	s0 =	simm.s32 @p1 $0x1  }
0x15: {  	[smem:$0x3FAD] =	sst s0;
	s0 =	simm.s32 @!p2 $0x0  }
0x16: {  	s3 =	sld [smem:$0x3FDB];
	s0 =	simm.s32 @p2 $0x1  }
0x17: {  	s4 =	simm.s32 $0x1BF5;
	[smem:$0x3FAF] =	sst s0  }
0x18: {  	s0 =	sld [smem:$0x3F92];
	_ =	swait.ge [sflag:s4], $0x0  }
0x19: {  	s7 =	sld [smem:$0x3F93]  }
0x1a: {  	s8 =	sadd.s32 $0xFFFFE003, lr  }
0x1b: {  	s9 =	sadd.s32 $0xFFFFFEF7, lr;
	s5 =	simm.s32 $0xFFFFFFFF;
	p2 =	slt.u32 s8, $0xFFFFF086  }
0x1c: {  	p1 =	slt.u32 s9, $0xF7A;
	s5 =	simm.s32 @!p2 $0x0  }
0x1d: {  	s5 =	simm.s32 @p1 $0x1;
	p0 =	seq.s32 s7, s2  }
0x1e: {  	s7 =	smul.u32 @!p0 $0xF7A, s2;
	p2 =	seq.s32 @!p0 s5, $0x0  }
0x1f: {  	s9 =	smul.u32 $0xF7A, s1;
	s8 =	simm.s32 @!p0 $0x1BF5;
	p2 =	por !p2, p0  }
0x20: {  	[sflag:s8] =	ssyncset.s32 @!p0 $0xFFFFF086;
	s6 =	sadd.s32 @!p0 s3, s7;
	s7 =	simm.s32 @!p0 $0x108  }
0x21: {  	s3 =	sadd.s32 s3, s9;
	s6 =	sadd.s32 @!p0 $0x88, s6;
	s7 =	simm.s32 @p2 $0x1082  }
0x22: {  	[simem:s7], [sflag:s8] =	dma.local @!p0 [hbm:s6], $0xF7A  }
0x23: {  	s9 =	sor.u32 $0xD0000000, s2;
	s6 =	simm.s32 $0x108;
	_ =	swait.ge @!p0 [sflag:s8], $0x0  }
0x24: {  	s3 =	sadd.s32 $0x88, s3;
	s6 =	simm.s32 @!p1 $0x1082;
	[sflag:s4] =	ssyncset.s32 $0xFFFFF086  }
0x25: {  	[simem:s6], [sflag:s4] =	dma.local [hbm:s3], $0xF7A  }
0x26: {  	[smem:$0x3F93] =	sst s1;
	(tag) =	ssettag s2;
	_ =	strace s9  }
0x27: {  	s1 =	sld [smem:$0x3FA3]  }
0x28: {  	s2 =	sld [smem:$0x3FA4]  }
0x29: {  	s4 =	sld [smem:$0x3FA6]  }
0x2a: {  	p0 =	seq.s32 s5, $0x0;
	s5 =	sld [smem:$0x3FA7]  }
0x2b: {  	s6 =	sld [smem:$0x3FA8]  }
0x2c: {  	s7 =	sld [smem:$0x3FA9]  }
0x2d: {  	s3 =	simm.s32 $0x108;
	s8 =	sld [smem:$0x3FAA]  }
0x2e: {  	s3 =	simm.s32 @!p0 $0x1082;
	s9 =	sld [smem:$0x3FAB]  }
0x2f: {  	lr =	sadd.s32 s0, s3;
	s0 =	sld [smem:$0x3FA2]  }
0x30: {  	s3 =	sld [smem:$0x3FA5]  }
0x31: {  	[smem:$0x3FAE] =	sst s10  }
0x32: {  	s10 =	sld [smem:$0x3FAC];
	_ =	sdelay $0x3  }
0x33: {  	p0 =	seq.s32 s10, $0x1;
	s10 =	sld [smem:$0x3FAE];
	_ =	sdelay $0x3  }
0x34: {  	[smem:$0x3FAE] =	sst s10  }
0x35: {  	s10 =	sld [smem:$0x3FAD];
	_ =	sdelay $0x3  }
0x36: {  	p1 =	seq.s32 s10, $0x1;
	s10 =	sld [smem:$0x3FAE];
	_ =	sdelay $0x3  }
0x37: {  	[smem:$0x3FAE] =	sst s10  }
0x38: {  	s10 =	sld [smem:$0x3FAF]  }
0x39: {  	_ = 	snop;
	(pc) =	sbr.ind lr, $3  }
0x3a: {  	_ = 	snop  }
0x3b: {  	_ = 	snop  }
0x3c: {  	p2 =	seq.s32 s10, $0x1;
	s10 =	sld [smem:$0x3FAE]  }
0x3d: {  	_ =	shalt  }
0x3e: {  	_ =	shalt  }
0x3f: {  	_ =	shalt  }
0x40: {  	_ =	shalt  }
0x41: {  	_ =	shalt  }
0x42: {  	_ =	shalt  }
0x43: {  	_ =	shalt  }
0x44: {  	_ =	shalt  }
0x45: {  	_ =	shalt  }
0x46: {  	_ =	shalt  }
0x47: {  	_ =	shalt  }
0x48: {  	_ =	shalt  }
0x49: {  	_ =	shalt  }
0x4a: {  	_ =	shalt  }
0x4b: {  	_ =	shalt  }
0x4c: {  	_ =	shalt  }
0x4d: {  	_ =	shalt  }
0x4e: {  	_ =	shalt  }
0x4f: {  	_ =	shalt  }
0x50: {  	_ =	shalt  }
0x51: {  	_ =	shalt  }
0x52: {  	_ =	shalt  }
0x53: {  	_ =	shalt  }
0x54: {  	_ =	shalt  }
0x55: {  	_ =	shalt  }
0x56: {  	_ =	shalt  }
0x57: {  	_ =	shalt  }
0x58: {  	_ =	shalt  }
0x59: {  	_ =	shalt  }
0x5a: {  	_ =	shalt  }
0x5b: {  	_ =	shalt  }
0x5c: {  	_ =	shalt  }
0x5d: {  	_ =	shalt  }
0x5e: {  	_ =	shalt  }
0x5f: {  	_ =	shalt  }
0x60: {  	_ =	shalt  }
0x61: {  	_ =	shalt  }
0x62: {  	_ =	shalt  }
0x63: {  	_ =	shalt  }
0x64: {  	_ =	shalt  }
0x65: {  	_ =	shalt  }
0x66: {  	_ =	shalt  }
0x67: {  	_ =	shalt  }
0x68: {  	_ =	shalt  }
0x69: {  	_ =	shalt  }
0x6a: {  	_ =	shalt  }
0x6b: {  	_ =	shalt  }
0x6c: {  	_ =	shalt  }
0x6d: {  	_ =	shalt  }
0x6e: {  	_ =	shalt  }
0x6f: {  	_ =	shalt  }
0x70: {  	_ =	shalt  }
0x71: {  	_ =	shalt  }
0x72: {  	_ =	shalt  }
0x73: {  	_ =	shalt  }
0x74: {  	_ =	shalt  }
0x75: {  	_ =	shalt  }
0x76: {  	_ =	shalt  }
0x77: {  	_ =	shalt  }
0x78: {  	_ =	shalt  }
0x79: {  	_ =	shalt  }
0x7a: {  	_ =	shalt  }
0x7b: {  	_ =	shalt  }
0x7c: {  	_ =	shalt  }
0x7d: {  	_ =	shalt  }
0x7e: {  	_ =	shalt  }
0x7f: {  	_ =	shalt  }
0x80: {  	_ =	shalt  }
0x81: {  	_ =	shalt  }
0x82: {  	_ =	shalt  }
0x83: {  	_ =	shalt  }
0x84: {  	_ =	shalt  }
0x85: {  	_ =	shalt  }
0x86: {  	_ =	shalt  }
0x87: {  	_ =	shalt  }
.Lfunc_end0:
.L_simem_size_0:
called_computation_lowered:
.L_overlay_start_0:
0x88: {  	s2 =	sld [smem:$0x3FD9]  }
0x89: {  	s3 =	sld [smem:$0x3FFE];
	_ =	sdelay $0x1  }
0x8a: {  	s1 =	srdreg.scid  }
0x8b: {  	s0 =	sand.u32 $0x1, s1  }
0x8c: {  	s14 =	sshll.u32 s0, $0xA;
	s2 =	sadd.s32 s3, s2  }
0x8d: {  	s2 =	sadd.s32 s2, s14  }
0x8e: {  	[smem:$0x3FBA] =	sst s2  }
0x8f: {  	_ = 	snop  }
0x90: {  	s2 =	sld [smem:$0x3FD0];
	_ =	sdelay $0x2  }
0x91: {  	s15 =	simm.s32 $0xA;
	s4 =	simm.s32 $0x10  }
0x92: {  	[smem:s4], [sflag:s15] =	dma.local [hbm:s2], $0x1  }
0x93: {  	_ =	swait.eq [sflag:s15], $0x1  }
0x94: {  	[sflag:s15] =	ssyncset.done $0x0  }
0x95: {  	[sflag:s15] =	ssyncadd.s32 $0xFFFFFFFF  }
0x96: {  	s16 =	sld [smem:$0x11];
	(tm) =	ssettm $0x1  }
0x97: {  	s17 =	sld [smem:$0x3FFB];
	_ =	sdelay $0x3  }
0x98: {  	_ =	strace s17  }
0x99: {  	s3 =	sld [smem:$0x3FFC];
	_ =	sdelay $0x3  }
0x9a: {  	_ =	strace s3  }
0x9b: {  	s3 =	sld [smem:$0x3FFD];
	_ =	sdelay $0x3  }
0x9c: {  	_ =	strace s3  }
0x9d: {  	_ =	strace $0x8FFFFFFF  }
0x9e: {  	s18 =	sld [smem:$0x3FDB];
	_ =	sdelay $0x1  }
0x9f: {  	s19 =	simm.s32 $_scs_section_size  }
0xa0: {  	s5 =	simm.s32 $_size__tile_overlayer_lowered;
	s6 =	simm.s32 $_tile_overlayer_lowered  }
0xa1: {  	s22 =	simm.s32 $0x1BFF;
	s21 =	sshll.u32 s6, $0x1;
	s3 =	sadd.s32 s19, s18  }
0xa2: {  	s7 =	simm.s32 $0x0;
	s20 =	sshll.u32 s5, $0x1;
	s5 =	sadd.s32 s21, s3  }
0xa3: {  	[timem:s7], [sflag:s22] =	dma.local [hbm:s5], s20  }
0xa4: {  	_ =	swait.ge [sflag:s22], s20  }
0xa5: {  	s4 =	ssub.s32 $0x0, s20;
	[sflag:s22] =	ssyncset.done $0x0  }
0xa6: {  	[sflag:s22] =	ssyncadd.s32 s4;
	_ =	sdelay $0x1  }
0xa7: {  	s23 =	simm.s32 $0x1B8B  }
0xa8: {  	_ =	swait.ge [sflag:s23], $0x1  }
0xa9: {  	[sflag:s23] =	ssyncset.done $0x0  }
0xaa: {  	s25 =	simm.s32 $0x1B8E;
	s24 =	sld [smem:$0x3FFE];
	[sflag:s23] =	ssyncadd.s32 $0xFFFFFFFF  }
0xab: {  	s26 =	simm.s32 $execute0_lowered;
	[smem:$0x3FD2] =	sst s25  }
0xac: {  	s5 =	sshll.u32 s26, $0x1;
	_ =	strace $0x80000046;
	[dreg:$0x1] =	wrdreg $0xFFFFFFFF  }
0xad: {  	s28 =	simm.s32 $_size_execute0_lowered;
	s3 =	sadd.s32 s3, s5;
	[dreg:$0x0] =	wrdreg $0x0  }
0xae: {  	s5 =	sshll.u32 s28, $0x1;
	[dreg:$0x2] =	wrdreg s3  }
0xaf: {  	[dreg:$0x3] =	wrdreg s5  }
0xb0: {  	[dreg:$0x4] =	wrdreg $0xC0  }
0xb1: {  	_ =	task [dreg:s7], $0x5FFFF  }
0xb2: {  	[dreg:$0x1] =	wrdreg $0xFFFFFFFF  }
0xb3: {  	[dreg:$0x0] =	wrdreg $0x60  }
0xb4: {  	[dreg:$0x2] =	wrdreg s24  }
0xb5: {  	[dreg:$0x3] =	wrdreg s16  }
0xb6: {  	[dreg:$0x4] =	wrdreg $0x9  }
0xb7: {  	_ =	task.clear_ibuf [dreg:s7], $0x5FFFF;
	_ =	strace $0x90000046  }
0xb8: {  	s29 =	simm.s32 $0x9;
	_ =	strace $0x80000048  }
0xb9: {  	_ =	swait.ge [sflag:s29], $0x1  }
0xba: {  	[sflag:s29] =	ssyncadd.s32 $0xFFFFFFFF  }
0xbb: {  	_ =	strace $0x90000048  }
0xbc: {  	_ =	sfence  }
0xbd: {  	s30 =	sld [smem:$0x0];
	_ =	sdelay $0x2  }
0xbe: {  	s31 =	sshll.u32 s1, $0xD;
	s1 =	sshrl.u32 s1, $0x2  }
0xbf: {  	s3 =	sand.u32 $0x4000, s31;
	s1 =	sadd.s32 s1, s30  }
0xc0: {  	s0 =	sor.u32 s3, s0;
	s1 =	sshll.u32 s1, $0x11  }
0xc1: {  	s0 =	sor.u32 s1, s0  }
0xc2: {  	s0 =	sadd.s32 $0x8F2B, s0  }
0xc3: {  	[sflag:s0] =	ssyncadd.remote.s32 $0x1  }
0xc4: {  	_ =	sfence.sel $0xFFFF  }
0xc5: {  	[dreg:$0x0] =	wrdreg $0xFFFFFFFF;
	(pc) =	sbr.abs _section_cstart, $3  }
0xc6: {  	[dreg:$0x1] =	wrdreg $0xFFFFFFFF  }
0xc7: {  	_ =	task.clear_ibuf [dreg:s7], $0x2FFFF;
	_ =	strace $0x9FFFFFFF  }
0xc8: {  	(tm) =	ssettm $0x7FFFFFFF  }
0xc9: {  	_ =	shalt  }
tec
execute0_lowered:
.L_overlay_start_1:
0x0: {  	(tag) =	ssettag $0x1  }
0x1: {  	s4 =	rddreg [dreg:$0x0]  }
0x2: {  	s6 =	rddreg [dreg:$0x1]  }
0x3: {  	s0 =	rddreg [dreg:$0x2];
	s2 =	simm.s32 $0x0;
	s1 =	stileid.u32  }
0x4: {  	s3 =	srdreg.scid;
	[smem:$0x7FF] =	sst s2  }
0x5: {  	s5 =	sshll.u32 s1, $0x10;
	s7 =	sand.u32 $0x1, s3;
	s3 =	sadd.s32 $0x600, s4  }
0x6: {  	s9 =	sshll.u32 s1, $0xC;
	_ =	strace $0x80000047;
	s5 =	sadd.s32 s5, s4  }
0x7: {  	s29 =	ssub.s32 $0x2, s7;
	s10 =	sshll.u32 s7, $0xB;
	s7 =	sshll.u32 s7, $0xF  }
0x8: {  	s8 =	sshrl.u32 s29, $0x1;
	s30 =	sor.u32 s10, s9;
	s5 =	sadd.s32 s7, s5  }
0x9: {  	s7 =	simm.s32 $0x2;
	s9 =	simm.s32 $0x1;
	s10 =	simm.s32 $0x0  }
0xa: {  	s4 =	ssub.s32 s29, s8;
	s31 =	sshrl.u32 s30, $0x3;
	s5 =	sadd.s32 $0x40600, s5  }
0xb: {  	s8 =	simm.s32 $0x80;
	s4 =	smax.u32 s4, $0x1;
	s6 =	sadd.s32 s31, s6  }
.LBB2_1:
0xc: {  	s11 =	sadd.s32 $0x0, s6  }
0xd: {  	[tilespmem:s2], [sflag:$0x2] =	stream.linear.gather [hbm4b:s11+s2], $0x80, $0x38;
	[tilespmem:$0x4080] =	vst v63  }
0xe: {  	_ =	swait.ge [sflag:s7], $0x80  }
0xf: {  	[sflag:s7] =	ssyncset.done $0x0  }
0x10: {  	[sflag:s7] =	ssyncadd.s32 $0xFFFFFF80  }
0x11: {  	[tilespmem:s8], [sflag:$0x1] =	stream.indirect.gather [hbm4b:s3+s8], $0x80, s2, s8, $0xb8;
	[tilespmem:$0x4080] =	vst v63  }
0x12: {  	_ =	swait.ge [sflag:s9], $0x4000  }
0x13: {  	[sflag:s9] =	ssyncset.done $0x0  }
0x14: {  	[sflag:s9] =	ssyncadd.s32 $0xFFFFC000  }
0x15: {  	[hbm4b:s5+s2] =	stream.linear.scatter [tilespmem:s8], [sflag:$0x2], $0x4000, $0x38;
	[tilespmem:$0x4080] =	vst v63  }
0x16: {  	s12 =	simm.s32 $0x10;
	_ =	swait.ge [sflag:s7], $0x4000  }
0x17: {  	s13 =	simm.s32 $0x20;
	s11 =	sadd.s32 $0x800, s5;
	[sflag:s7] =	ssyncset.done $0x0  }
.LBB2_2:
0x18: {  	s14 =	sadd.s32 s12, s6  }
0x19: {  	[sflag:s7] =	ssyncadd.s32 $0xFFFFC000;
	s12 =	smov.u32 s13;
	s15 =	sadd.s32 $0x10, s13  }
0x1a: {  	[tilespmem:s2], [sflag:$0x2] =	stream.linear.gather [hbm4b:s14+s2], $0x80, $0x38;
	[tilespmem:$0x4080] =	vst v63  }
0x1b: {  	p0 =	sne.s32 s13, $0xF0;
	_ =	swait.ge [sflag:s7], $0x80  }
0x1c: {  	[sflag:s7] =	ssyncset.done $0x0  }
0x1d: {  	[sflag:s7] =	ssyncadd.s32 $0xFFFFFF80  }
0x1e: {  	[tilespmem:s8], [sflag:$0x1] =	stream.indirect.gather [hbm4b:s3+s8], $0x80, s2, s8, $0xb8;
	[tilespmem:$0x4080] =	vst v63  }
0x1f: {  	_ =	swait.ge [sflag:s9], $0x4000  }
.Ltmp0:
0x20: {  	[sflag:s9] =	ssyncset.done $0x0;
	(pc) =	sbr.rel @p0 .LBB2_2-.Ltmp0, $4  }
0x21: {  	[sflag:s9] =	ssyncadd.s32 $0xFFFFC000  }
0x22: {  	[hbm4b:s11+s2] =	stream.linear.scatter [tilespmem:s8], [sflag:$0x2], $0x4000, $0x38;
	[tilespmem:$0x4080] =	vst v63  }
0x23: {  	_ =	swait.ge [sflag:s7], $0x4000  }
0x24: {  	s13 =	smov.u32 s15;
	s11 =	sadd.s32 $0x800, s11;
	[sflag:s7] =	ssyncset.done $0x0  }
0x25: {  	s12 =	sadd.s32 s12, s6;
	[sflag:s7] =	ssyncadd.s32 $0xFFFFC000  }
0x26: {  	[tilespmem:s2], [sflag:$0x2] =	stream.linear.gather [hbm4b:s12+s2], $0x80, $0x38;
	[tilespmem:$0x4080] =	vst v63  }
0x27: {  	_ =	swait.ge [sflag:s7], $0x80  }
0x28: {  	[sflag:s7] =	ssyncset.done $0x0  }
0x29: {  	[sflag:s7] =	ssyncadd.s32 $0xFFFFFF80  }
0x2a: {  	[tilespmem:s8], [sflag:$0x1] =	stream.indirect.gather [hbm4b:s3+s8], $0x80, s2, s8, $0xb8;
	[tilespmem:$0x4080] =	vst v63  }
0x2b: {  	s10 =	sadd.s32 $0x1, s10;
	_ =	swait.ge [sflag:s9], $0x4000  }
0x2c: {  	p0 =	sne.s32 s10, s4;
	[sflag:s9] =	ssyncset.done $0x0  }
.Ltmp1:
0x2d: {  	[sflag:s9] =	ssyncadd.s32 $0xFFFFC000;
	(pc) =	sbr.rel @p0 .LBB2_1-.Ltmp1, $4  }
0x2e: {  	[hbm4b:s11+s2] =	stream.linear.scatter [tilespmem:s8], [sflag:$0x2], $0x4000, $0x38;
	[tilespmem:$0x4080] =	vst v63  }
0x2f: {  	_ =	swait.ge [sflag:s7], $0x4000  }
0x30: {  	[sflag:s7] =	ssyncset.done $0x0  }
0x31: {  	[sflag:s7] =	ssyncadd.s32 $0xFFFFC000  }
0x32: {  	_ =	sfence.sel $0x180000  }
0x33: {  	[bflag:$0x0] =	sbarrier.arrive $0xFFFF  }
0x34: {  	p0 =	sne.s32 s1, $0x0;
	_ =	strace $0x90000047  }
0x35: {  	s0 =	sadd.s32 @!p0 $0x100000, s0;
	[bflag:$0x2] =	sbarrier.arrive $0xFFFF  }
0x36: {  	[sflag:s0] =	ssyncadd.tile.s32 @!p0 $0x1;
	_ =	shalt  }
.Lfunc_end2:
_tile_overlayer_lowered:
.L_overlay_start_2:
0x37: {  	(tag) =	ssettag $0x2  }
0x38: {  	s0 =	rddreg [dreg:$0x0];
	s2 =	stileid.u32  }
0x39: {  	s1 =	rddreg [dreg:$0x1];
	p0 =	sne.s32 s2, $0x0  }
0x3a: {  	s3 =	rddreg [dreg:$0x2];
	[bflag:$0x3] =	sbarrier.arrive $0xFFFF;
	s2 =	simm.s32 @!p0 $0x1C02  }
0x3b: {  	[timem:s3], [sflag:s2] =	dma.local @!p0 [hbm:s0], s1  }
0x3c: {  	s0 =	simm.s32 @!p0 $0x2  }
0x3d: {  	_ =	swait.ge @!p0 [sflag:s0], s1  }
0x3e: {  	s1 =	ssub.s32 @!p0 $0x0, s1;
	[sflag:s0] =	ssyncset.done @!p0 $0x0  }
0x3f: {  	[sflag:s0] =	ssyncadd.s32 @!p0 s1  }
0x40: {  	[bflag:$0x3] =	sbarrier.arrive $0xFFFF  }
0x41: {  	_ =	shalt  }

</sc_bundles>
